<compile_context>
chip_gen: v7x
topology: tpu7x:2x2x1
jax: 0.10.2.dev20260603
libtpu: 0.0.44.dev20260713+nightly
codegen_flags: <defaults>
</compile_context>

<pallas_src>
import functools

import jax
import jax.numpy as jnp
from jax import lax
from jax.experimental import pallas as pl
from jax.experimental.pallas import tpu as pltpu
from jax.experimental.pallas import tpu_sc as plsc

N = 10000
E = 320000
D = 128
NC = 2
NS = 16
NW = NC * NS
C = 128
CHUNKS = 80
HC = CHUNKS // 2
EC = E // C
LAST_REAL = EC - (NW - 1) * CHUNKS
PADC = CHUNKS - LAST_REAL
NACC = 10240
RPT = NACC // NS
BR = 5000

_mesh = plsc.VectorSubcoreMesh(core_axis_name="c", subcore_axis_name="s")


@functools.partial(
    pl.kernel,
    out_type=jax.ShapeDtypeStruct((NC, NACC, D), jnp.float32),
    mesh=_mesh,
    scratch_types=[
        pltpu.VMEM((HC, C), jnp.int32),
        pltpu.VMEM((HC, C), jnp.int32),
        pltpu.VMEM((C, D), jnp.float32),
        pltpu.VMEM((C, D), jnp.float32),
        pltpu.VMEM_SHARED((NACC, D), jnp.float32),
        pltpu.SemaphoreType.DMA,
        pltpu.SemaphoreType.DMA,
    ],
)
def _sc_gather_scatter(x_hbm, eidx_hbm, pad_src_hbm, pad_dst_hbm, zeros_hbm,
                       out_hbm, src_v, dst_v, rows0_v, rows1_v, acc_sh,
                       g0, g1):
    c = lax.axis_index("c")
    s = lax.axis_index("s")
    wid = c * NS + s

    def stage(h):
        @pl.when(wid < NW - 1)
        def _():
            base = wid * CHUNKS + h * HC
            pltpu.sync_copy(eidx_hbm.at[0, pl.ds(base, HC)], src_v)
            pltpu.sync_copy(eidx_hbm.at[1, pl.ds(base, HC)], dst_v)

        @pl.when(wid == NW - 1)
        def _():
            pltpu.sync_copy(pad_src_hbm.at[pl.ds(h * HC, HC)], src_v)
            pltpu.sync_copy(pad_dst_hbm.at[pl.ds(h * HC, HC)], dst_v)

    stage(0)
    pltpu.async_copy(x_hbm.at[src_v.at[0]], rows0_v, g0)

    pltpu.sync_copy(zeros_hbm, acc_sh.at[pl.ds(s * RPT, RPT)])
    plsc.subcore_barrier()

    for h in range(2):
        if h == 1:
            stage(1)
            pltpu.async_copy(x_hbm.at[src_v.at[0]], rows0_v, g0)

        def body(i, carry):
            j = 2 * i
            pltpu.async_copy(x_hbm.at[src_v.at[j + 1]], rows1_v, g1)
            pltpu.make_async_copy(x_hbm.at[src_v.at[j]], rows0_v, g0).wait()
            pltpu.sync_copy(rows0_v, acc_sh.at[dst_v.at[j]], add=True)

            @pl.when(i < HC // 2 - 1)
            def _():
                pltpu.async_copy(x_hbm.at[src_v.at[j + 2]], rows0_v, g0)

            pltpu.make_async_copy(x_hbm.at[src_v.at[j + 1]], rows1_v, g1).wait()
            pltpu.sync_copy(rows1_v, acc_sh.at[dst_v.at[j + 1]], add=True)
            return carry

        lax.fori_loop(0, HC // 2, body, 0)

    plsc.subcore_barrier()
    pltpu.sync_copy(acc_sh.at[pl.ds(s * RPT, RPT)],
                    out_hbm.at[c, pl.ds(s * RPT, RPT)])


def _mlp_body(x_ref, acc_ref, w1_ref, b1_ref, w2_ref, b2_ref, o_ref):
    h = x_ref[...] + acc_ref[0] + acc_ref[1]
    t = jnp.dot(h, w1_ref[...], preferred_element_type=jnp.float32) + b1_ref[...]
    t = jnp.where(t >= 0, t, 0.01 * t)
    t = jnp.dot(t, w2_ref[...], preferred_element_type=jnp.float32) + b2_ref[...]
    o_ref[...] = jnp.where(t >= 0, t, 0.01 * t)


def kernel(x, edge_index, W1, b1, W2, b2):
    eidx = edge_index.reshape(2, EC, C)
    lane = jnp.arange(C, dtype=jnp.int32)
    base = (NW - 1) * CHUNKS
    pad_src = jnp.concatenate(
        [eidx[0, base:], jnp.broadcast_to(lane, (PADC, C))])
    pad_dst = jnp.concatenate(
        [eidx[1, base:], jnp.broadcast_to(N + lane, (PADC, C))])
    zeros = jnp.zeros((RPT, D), jnp.float32)

    acc = _sc_gather_scatter(x, eidx, pad_src, pad_dst, zeros)

    out = pl.pallas_call(
        _mlp_body,
        grid=(N // BR,),
        in_specs=[
            pl.BlockSpec((BR, D), lambda i: (i, 0)),
            pl.BlockSpec((NC, BR, D), lambda i: (0, i, 0)),
            pl.BlockSpec((D, D), lambda i: (0, 0)),
            pl.BlockSpec((1, D), lambda i: (0, 0)),
            pl.BlockSpec((D, D), lambda i: (0, 0)),
            pl.BlockSpec((1, D), lambda i: (0, 0)),
        ],
        out_specs=pl.BlockSpec((BR, D), lambda i: (i, 0)),
        out_shape=jax.ShapeDtypeStruct((N, D), jnp.float32),
    )(x, acc, W1, b1.reshape(1, D), W2, b2.reshape(1, D))
    return out

# --- scband reference (transcript-rebuilt; emitter-appended) ---
"""Pipeline reference for scband-gnblock-377957122655 (READ-ONLY COPY).

The authoritative reference and input builder live on the scoring server;
editing this copy changes nothing except your own understanding.
"""

import jax, jax.numpy as jnp
import numpy as np


def leaky_relu(x, negative_slope=0.01):
    return jnp.where(x >= 0, x, negative_slope * x)


def setup_inputs(seed: int = 0) -> dict:
    key = jax.random.key(seed)
    k1, k2, k3, k4 = jax.random.split(key, 4)
    N, E, D, H = 10000, 320000, 128, 128
    x = jax.random.normal(k1, (N, D), dtype=jnp.float32)
    edge_index = jax.random.randint(k2, (2, E), 0, N, dtype=jnp.int32)
    # MLPBlock params: Linear(D->H), LeakyReLU, Linear(H->D)
    W1 = jax.random.normal(k3, (D, H), dtype=jnp.float32) * 0.05
    b1 = jnp.zeros((H,), dtype=jnp.float32)
    W2 = jax.random.normal(k4, (H, D), dtype=jnp.float32) * 0.05
    b2 = jnp.zeros((D,), dtype=jnp.float32)
    return {"x": x, "edge_index": edge_index, "W1": W1, "b1": b1, "W2": W2, "b2": b2}


def reference(x, edge_index, W1, b1, W2, b2):
    # GINConv (eps=0, train_eps=False):
    #   out_i = MLP((1+eps)*x_i + sum_{j in N(i)} x_j)
    # PyG convention: edge_index[0]=src, edge_index[1]=dst; aggregate at dst.
    src = edge_index[0]
    dst = edge_index[1]
    msgs = jnp.take(x, src, axis=0)                      # gather (memory bound)
    agg = jax.ops.segment_sum(msgs, dst, num_segments=x.shape[0])  # scatter-add
    h = x + agg                                          # (1 + eps) * x + agg, eps = 0
    # MLPBlock: Linear -> LeakyReLU -> Linear
    h = h @ W1 + b1
    h = leaky_relu(h)
    h = h @ W2 + b2
    # GNBlock outer activation
    out = leaky_relu(h)
    return out

if __name__ == "__main__":
    import jax
    _d = setup_inputs()
    print(jax.jit(kernel)(*tuple(_d.values())))

</pallas_src>

<mosaic_0001>
#map = affine_map<(d0, d1) -> (0, 0)>
#map1 = affine_map<(d0, d1) -> (0, 0, 0)>
module attributes {stable_mosaic.version = 14 : i64} {
  func.func @_sc_gather_scatter(%arg0: i32, %arg1: i32, %arg2: memref<10000x128xf32, #tpu.memory_space<hbm>>, %arg3: memref<2x2500x128xi32, #tpu.memory_space<hbm>>, %arg4: memref<80x128xi32, #tpu.memory_space<hbm>>, %arg5: memref<80x128xi32, #tpu.memory_space<hbm>>, %arg6: memref<640x128xf32, #tpu.memory_space<hbm>>, %arg7: memref<2x10240x128xf32, #tpu.memory_space<hbm>>, %arg8: memref<40x128xi32, #tpu.memory_space<vmem>>, %arg9: memref<40x128xi32, #tpu.memory_space<vmem>>, %arg10: memref<128x128xf32, #tpu.memory_space<vmem>>, %arg11: memref<128x128xf32, #tpu.memory_space<vmem>>, %arg12: memref<10240x128xf32, #tpu.memory_space<vmem_shared>>, %arg13: memref<!tpu.dma_semaphore, #tpu.memory_space<semaphore_mem>>, %arg14: memref<!tpu.dma_semaphore, #tpu.memory_space<semaphore_mem>>) attributes {dimension_semantics = [#tpu.dimension_semantics<core_parallel>, #tpu.dimension_semantics<subcore_parallel>], iteration_bounds = array<i64: 2, 16>, scalar_prefetch = 0 : i64, scratch_operands = 7 : i64, tpu.core_type = #tpu.core_type<sc_vector_subcore>, window_params = [{transform_indices = #map}, {transform_indices = #map1}, {transform_indices = #map}, {transform_indices = #map}, {transform_indices = #map}, {transform_indices = #map1}]} {
    %mul3A = arith.constant 16 : i32
    %mul3A_0 = arith.muli %arg0, %mul3A : i32
    %add3A = arith.addi %mul3A_0, %arg1 : i32
    %lt3A = arith.constant 31 : i32
    %lt3A_1 = arith.cmpi slt, %add3A, %lt3A : i32
    %convert_element_type3A = arith.extui %lt3A_1 : i1 to i32
    %cond3A = arith.constant 0 : i32
    %cond3A_2 = arith.cmpi ne, %convert_element_type3A, %cond3A : i32
    scf.if %cond3A_2 {
      %mul3A_48 = arith.constant 80 : i32
      %mul3A_49 = arith.muli %add3A, %mul3A_48 : i32
      %add3A_50 = arith.constant 0 : i32
      %add3A_51 = arith.addi %mul3A_49, %add3A_50 : i32
      %run_scoped3A = arith.constant 0 : i32
      "tpu.region"() ({
        %run_scoped3A_53 = tpu.sem_alloc : memref<!tpu.dma_semaphore, #tpu.memory_space<semaphore_mem>>
        %dma_start3A_54 = arith.constant 0 : i32
        %dma_start3A_55 = tpu.memref_slice %arg3[%run_scoped3A, %add3A_51, %dma_start3A_54] : memref<2x2500x128xi32, #tpu.memory_space<hbm>> -> memref<1x40x128xi32, #tpu.memory_space<hbm>>
        %dma_start3A_56 = tpu.memref_squeeze %dma_start3A_55 : memref<1x40x128xi32, #tpu.memory_space<hbm>> -> memref<40x128xi32, #tpu.memory_space<hbm>>
        %dma_start3A_57 = arith.constant 0 : i32
        %dma_start3A_58 = tpu.memref_slice %arg3[%run_scoped3A, %add3A_51, %dma_start3A_57] : memref<2x2500x128xi32, #tpu.memory_space<hbm>> -> memref<1x40x128xi32, #tpu.memory_space<hbm>>
        %dma_start3A_59 = tpu.memref_squeeze %dma_start3A_58 : memref<1x40x128xi32, #tpu.memory_space<hbm>> -> memref<40x128xi32, #tpu.memory_space<hbm>>
        tpu.enqueue_dma source(%dma_start3A_59 : memref<40x128xi32, #tpu.memory_space<hbm>>) target(%arg8 : memref<40x128xi32, #tpu.memory_space<vmem>>) target_semaphore(%run_scoped3A_53 : memref<!tpu.dma_semaphore, #tpu.memory_space<semaphore_mem>>)
        %dma_wait3A = arith.constant 0 : i32
        %dma_wait3A_60 = tpu.memref_slice %arg3[%run_scoped3A, %add3A_51, %dma_wait3A] : memref<2x2500x128xi32, #tpu.memory_space<hbm>> -> memref<1x40x128xi32, #tpu.memory_space<hbm>>
        %dma_wait3A_61 = tpu.memref_squeeze %dma_wait3A_60 : memref<1x40x128xi32, #tpu.memory_space<hbm>> -> memref<40x128xi32, #tpu.memory_space<hbm>>
        %dma_wait3A_62 = arith.constant 0 : i32
        %dma_wait3A_63 = tpu.memref_slice %arg3[%run_scoped3A, %add3A_51, %dma_wait3A_62] : memref<2x2500x128xi32, #tpu.memory_space<hbm>> -> memref<1x40x128xi32, #tpu.memory_space<hbm>>
        %dma_wait3A_64 = tpu.memref_squeeze %dma_wait3A_63 : memref<1x40x128xi32, #tpu.memory_space<hbm>> -> memref<40x128xi32, #tpu.memory_space<hbm>>
        tpu.wait_dma2 semaphore(%run_scoped3A_53 : memref<!tpu.dma_semaphore, #tpu.memory_space<semaphore_mem>>) src(%dma_wait3A_64 : memref<40x128xi32, #tpu.memory_space<hbm>>) dst(%arg8 : memref<40x128xi32, #tpu.memory_space<vmem>>)
        tpu.yield
      }) : () -> ()
      %run_scoped3A_52 = arith.constant 1 : i32
      "tpu.region"() ({
        %run_scoped3A_53 = tpu.sem_alloc : memref<!tpu.dma_semaphore, #tpu.memory_space<semaphore_mem>>
        %dma_start3A_54 = arith.constant 0 : i32
        %dma_start3A_55 = tpu.memref_slice %arg3[%run_scoped3A_52, %add3A_51, %dma_start3A_54] : memref<2x2500x128xi32, #tpu.memory_space<hbm>> -> memref<1x40x128xi32, #tpu.memory_space<hbm>>
        %dma_start3A_56 = tpu.memref_squeeze %dma_start3A_55 : memref<1x40x128xi32, #tpu.memory_space<hbm>> -> memref<40x128xi32, #tpu.memory_space<hbm>>
        %dma_start3A_57 = arith.constant 0 : i32
        %dma_start3A_58 = tpu.memref_slice %arg3[%run_scoped3A_52, %add3A_51, %dma_start3A_57] : memref<2x2500x128xi32, #tpu.memory_space<hbm>> -> memref<1x40x128xi32, #tpu.memory_space<hbm>>
        %dma_start3A_59 = tpu.memref_squeeze %dma_start3A_58 : memref<1x40x128xi32, #tpu.memory_space<hbm>> -> memref<40x128xi32, #tpu.memory_space<hbm>>
        tpu.enqueue_dma source(%dma_start3A_59 : memref<40x128xi32, #tpu.memory_space<hbm>>) target(%arg9 : memref<40x128xi32, #tpu.memory_space<vmem>>) target_semaphore(%run_scoped3A_53 : memref<!tpu.dma_semaphore, #tpu.memory_space<semaphore_mem>>)
        %dma_wait3A = arith.constant 0 : i32
        %dma_wait3A_60 = tpu.memref_slice %arg3[%run_scoped3A_52, %add3A_51, %dma_wait3A] : memref<2x2500x128xi32, #tpu.memory_space<hbm>> -> memref<1x40x128xi32, #tpu.memory_space<hbm>>
        %dma_wait3A_61 = tpu.memref_squeeze %dma_wait3A_60 : memref<1x40x128xi32, #tpu.memory_space<hbm>> -> memref<40x128xi32, #tpu.memory_space<hbm>>
        %dma_wait3A_62 = arith.constant 0 : i32
        %dma_wait3A_63 = tpu.memref_slice %arg3[%run_scoped3A_52, %add3A_51, %dma_wait3A_62] : memref<2x2500x128xi32, #tpu.memory_space<hbm>> -> memref<1x40x128xi32, #tpu.memory_space<hbm>>
        %dma_wait3A_64 = tpu.memref_squeeze %dma_wait3A_63 : memref<1x40x128xi32, #tpu.memory_space<hbm>> -> memref<40x128xi32, #tpu.memory_space<hbm>>
        tpu.wait_dma2 semaphore(%run_scoped3A_53 : memref<!tpu.dma_semaphore, #tpu.memory_space<semaphore_mem>>) src(%dma_wait3A_64 : memref<40x128xi32, #tpu.memory_space<hbm>>) dst(%arg9 : memref<40x128xi32, #tpu.memory_space<vmem>>)
        tpu.yield
      }) : () -> ()
    } else {
    }
    %eq3A = arith.constant 31 : i32
    %eq3A_3 = arith.cmpi eq, %add3A, %eq3A : i32
    %convert_element_type3A_4 = arith.extui %eq3A_3 : i1 to i32
    %cond3A_5 = arith.constant 0 : i32
    %cond3A_6 = arith.cmpi ne, %convert_element_type3A_4, %cond3A_5 : i32
    scf.if %cond3A_6 {
      "tpu.region"() ({
        %run_scoped3A = tpu.sem_alloc : memref<!tpu.dma_semaphore, #tpu.memory_space<semaphore_mem>>
        %dma_start3A_48 = arith.constant 0 : i32
        %dma_start3A_49 = arith.constant 0 : i32
        %dma_start3A_50 = tpu.memref_slice %arg4[%dma_start3A_48, %dma_start3A_49] : memref<80x128xi32, #tpu.memory_space<hbm>> -> memref<40x128xi32, #tpu.memory_space<hbm>>
        %dma_start3A_51 = arith.constant 0 : i32
        %dma_start3A_52 = arith.constant 0 : i32
        %dma_start3A_53 = tpu.memref_slice %arg4[%dma_start3A_51, %dma_start3A_52] : memref<80x128xi32, #tpu.memory_space<hbm>> -> memref<40x128xi32, #tpu.memory_space<hbm>>
        tpu.enqueue_dma source(%dma_start3A_53 : memref<40x128xi32, #tpu.memory_space<hbm>>) target(%arg8 : memref<40x128xi32, #tpu.memory_space<vmem>>) target_semaphore(%run_scoped3A : memref<!tpu.dma_semaphore, #tpu.memory_space<semaphore_mem>>)
        %dma_wait3A = arith.constant 0 : i32
        %dma_wait3A_54 = arith.constant 0 : i32
        %dma_wait3A_55 = tpu.memref_slice %arg4[%dma_wait3A, %dma_wait3A_54] : memref<80x128xi32, #tpu.memory_space<hbm>> -> memref<40x128xi32, #tpu.memory_space<hbm>>
        %dma_wait3A_56 = arith.constant 0 : i32
        %dma_wait3A_57 = arith.constant 0 : i32
        %dma_wait3A_58 = tpu.memref_slice %arg4[%dma_wait3A_56, %dma_wait3A_57] : memref<80x128xi32, #tpu.memory_space<hbm>> -> memref<40x128xi32, #tpu.memory_space<hbm>>
        tpu.wait_dma2 semaphore(%run_scoped3A : memref<!tpu.dma_semaphore, #tpu.memory_space<semaphore_mem>>) src(%dma_wait3A_58 : memref<40x128xi32, #tpu.memory_space<hbm>>) dst(%arg8 : memref<40x128xi32, #tpu.memory_space<vmem>>)
        tpu.yield
      }) : () -> ()
      "tpu.region"() ({
        %run_scoped3A = tpu.sem_alloc : memref<!tpu.dma_semaphore, #tpu.memory_space<semaphore_mem>>
        %dma_start3A_48 = arith.constant 0 : i32
        %dma_start3A_49 = arith.constant 0 : i32
        %dma_start3A_50 = tpu.memref_slice %arg5[%dma_start3A_48, %dma_start3A_49] : memref<80x128xi32, #tpu.memory_space<hbm>> -> memref<40x128xi32, #tpu.memory_space<hbm>>
        %dma_start3A_51 = arith.constant 0 : i32
        %dma_start3A_52 = arith.constant 0 : i32
        %dma_start3A_53 = tpu.memref_slice %arg5[%dma_start3A_51, %dma_start3A_52] : memref<80x128xi32, #tpu.memory_space<hbm>> -> memref<40x128xi32, #tpu.memory_space<hbm>>
        tpu.enqueue_dma source(%dma_start3A_53 : memref<40x128xi32, #tpu.memory_space<hbm>>) target(%arg9 : memref<40x128xi32, #tpu.memory_space<vmem>>) target_semaphore(%run_scoped3A : memref<!tpu.dma_semaphore, #tpu.memory_space<semaphore_mem>>)
        %dma_wait3A = arith.constant 0 : i32
        %dma_wait3A_54 = arith.constant 0 : i32
        %dma_wait3A_55 = tpu.memref_slice %arg5[%dma_wait3A, %dma_wait3A_54] : memref<80x128xi32, #tpu.memory_space<hbm>> -> memref<40x128xi32, #tpu.memory_space<hbm>>
        %dma_wait3A_56 = arith.constant 0 : i32
        %dma_wait3A_57 = arith.constant 0 : i32
        %dma_wait3A_58 = tpu.memref_slice %arg5[%dma_wait3A_56, %dma_wait3A_57] : memref<80x128xi32, #tpu.memory_space<hbm>> -> memref<40x128xi32, #tpu.memory_space<hbm>>
        tpu.wait_dma2 semaphore(%run_scoped3A : memref<!tpu.dma_semaphore, #tpu.memory_space<semaphore_mem>>) src(%dma_wait3A_58 : memref<40x128xi32, #tpu.memory_space<hbm>>) dst(%arg9 : memref<40x128xi32, #tpu.memory_space<vmem>>)
        tpu.yield
      }) : () -> ()
    } else {
    }
    %dma_start3A = arith.constant 0 : i32
    %dma_start3A_7 = arith.constant 0 : i32
    %dma_start3A_8 = tpu.memref_slice %arg8[%dma_start3A, %dma_start3A_7] : memref<40x128xi32, #tpu.memory_space<vmem>> -> memref<1x128xi32, #tpu.memory_space<vmem>>
    %dma_start3A_9 = tpu.memref_squeeze %dma_start3A_8 : memref<1x128xi32, #tpu.memory_space<vmem>> -> memref<128xi32, #tpu.memory_space<vmem>>
    %dma_start3A_10 = arith.constant 0 : i32
    %dma_start3A_11 = arith.constant 0 : i32
    %dma_start3A_12 = tpu.memref_slice %arg2[%dma_start3A_10, %dma_start3A_11] : memref<10000x128xf32, #tpu.memory_space<hbm>> -> memref<10000x128xf32, #tpu.memory_space<hbm>>
    tpu.enqueue_indirect_dma source(%dma_start3A_12 : memref<10000x128xf32, #tpu.memory_space<hbm>>) target(%arg10 : memref<128x128xf32, #tpu.memory_space<vmem>>) offsets(%dma_start3A_9 : memref<128xi32, #tpu.memory_space<vmem>>) semaphore(%arg13 : memref<!tpu.dma_semaphore, #tpu.memory_space<semaphore_mem>>)
    %mul3A_13 = arith.constant 640 : i32
    %mul3A_14 = arith.muli %arg1, %mul3A_13 : i32
    "tpu.region"() ({
      %run_scoped3A = tpu.sem_alloc : memref<!tpu.dma_semaphore, #tpu.memory_space<semaphore_mem>>
      %dma_start3A_48 = arith.constant 0 : i32
      %dma_start3A_49 = tpu.memref_slice %arg12[%mul3A_14, %dma_start3A_48] : memref<10240x128xf32, #tpu.memory_space<vmem_shared>> -> memref<640x128xf32, #tpu.memory_space<vmem_shared>>
      tpu.enqueue_dma source(%arg6 : memref<640x128xf32, #tpu.memory_space<hbm>>) target(%dma_start3A_49 : memref<640x128xf32, #tpu.memory_space<vmem_shared>>) target_semaphore(%run_scoped3A : memref<!tpu.dma_semaphore, #tpu.memory_space<semaphore_mem>>)
      %dma_wait3A = arith.constant 0 : i32
      %dma_wait3A_50 = tpu.memref_slice %arg12[%mul3A_14, %dma_wait3A] : memref<10240x128xf32, #tpu.memory_space<vmem_shared>> -> memref<640x128xf32, #tpu.memory_space<vmem_shared>>
      tpu.wait_dma2 semaphore(%run_scoped3A : memref<!tpu.dma_semaphore, #tpu.memory_space<semaphore_mem>>) src(%arg6 : memref<640x128xf32, #tpu.memory_space<hbm>>) dst(%dma_wait3A_50 : memref<640x128xf32, #tpu.memory_space<vmem_shared>>)
      tpu.yield
    }) : () -> ()
    %barrier3A = arith.constant 0 : index
    tpu.barrier barrier_id(%barrier3A)
    %scan3A = arith.constant 0 : i32
    %scan3A_15 = arith.constant 0 : i32
    %scan3A_16 = arith.constant 20 : i32
    %scan3A_17 = arith.addi %scan3A_15, %scan3A_16 : i32
    %scan3A_18 = arith.constant 1 : i32
    scf.for %scan3A_48 = %scan3A_15 to %scan3A_17 step %scan3A_18  : i32 {
      %mul3A_49 = arith.constant 2 : i32
      %mul3A_50 = arith.muli %mul3A_49, %scan3A_48 : i32
      %add3A_51 = arith.constant 1 : i32
      %add3A_52 = arith.addi %mul3A_50, %add3A_51 : i32
      %dma_start3A_53 = arith.constant 0 : i32
      %dma_start3A_54 = tpu.memref_slice %arg8[%add3A_52, %dma_start3A_53] : memref<40x128xi32, #tpu.memory_space<vmem>> -> memref<1x128xi32, #tpu.memory_space<vmem>>
      %dma_start3A_55 = tpu.memref_squeeze %dma_start3A_54 : memref<1x128xi32, #tpu.memory_space<vmem>> -> memref<128xi32, #tpu.memory_space<vmem>>
      %dma_start3A_56 = arith.constant 0 : i32
      %dma_start3A_57 = arith.constant 0 : i32
      %dma_start3A_58 = tpu.memref_slice %arg2[%dma_start3A_56, %dma_start3A_57] : memref<10000x128xf32, #tpu.memory_space<hbm>> -> memref<10000x128xf32, #tpu.memory_space<hbm>>
      tpu.enqueue_indirect_dma source(%dma_start3A_58 : memref<10000x128xf32, #tpu.memory_space<hbm>>) target(%arg11 : memref<128x128xf32, #tpu.memory_space<vmem>>) offsets(%dma_start3A_55 : memref<128xi32, #tpu.memory_space<vmem>>) semaphore(%arg14 : memref<!tpu.dma_semaphore, #tpu.memory_space<semaphore_mem>>)
      %dma_wait3A = arith.constant 0 : i32
      %dma_wait3A_59 = tpu.memref_slice %arg8[%mul3A_50, %dma_wait3A] : memref<40x128xi32, #tpu.memory_space<vmem>> -> memref<1x128xi32, #tpu.memory_space<vmem>>
      %dma_wait3A_60 = tpu.memref_squeeze %dma_wait3A_59 : memref<1x128xi32, #tpu.memory_space<vmem>> -> memref<128xi32, #tpu.memory_space<vmem>>
      %dma_wait3A_61 = arith.constant 0 : i32
      %dma_wait3A_62 = arith.constant 0 : i32
      %dma_wait3A_63 = tpu.memref_slice %arg2[%dma_wait3A_61, %dma_wait3A_62] : memref<10000x128xf32, #tpu.memory_space<hbm>> -> memref<10000x128xf32, #tpu.memory_space<hbm>>
      tpu.wait_indirect_dma semaphore(%arg13 : memref<!tpu.dma_semaphore, #tpu.memory_space<semaphore_mem>>) src(%dma_wait3A_63 : memref<10000x128xf32, #tpu.memory_space<hbm>>) dst(%arg10 : memref<128x128xf32, #tpu.memory_space<vmem>>)
      "tpu.region"() ({
        %run_scoped3A = tpu.sem_alloc : memref<!tpu.dma_semaphore, #tpu.memory_space<semaphore_mem>>
        %dma_start3A_79 = arith.constant 0 : i32
        %dma_start3A_80 = tpu.memref_slice %arg9[%mul3A_50, %dma_start3A_79] : memref<40x128xi32, #tpu.memory_space<vmem>> -> memref<1x128xi32, #tpu.memory_space<vmem>>
        %dma_start3A_81 = tpu.memref_squeeze %dma_start3A_80 : memref<1x128xi32, #tpu.memory_space<vmem>> -> memref<128xi32, #tpu.memory_space<vmem>>
        %dma_start3A_82 = arith.constant 0 : i32
        %dma_start3A_83 = arith.constant 0 : i32
        %dma_start3A_84 = tpu.memref_slice %arg12[%dma_start3A_82, %dma_start3A_83] : memref<10240x128xf32, #tpu.memory_space<vmem_shared>> -> memref<10240x128xf32, #tpu.memory_space<vmem_shared>>
        tpu.enqueue_indirect_dma source(%arg10 : memref<128x128xf32, #tpu.memory_space<vmem>>) target(%dma_start3A_84 : memref<10240x128xf32, #tpu.memory_space<vmem_shared>>) offsets(%dma_start3A_81 : memref<128xi32, #tpu.memory_space<vmem>>) semaphore(%run_scoped3A : memref<!tpu.dma_semaphore, #tpu.memory_space<semaphore_mem>>) {add = true}
        %dma_wait3A_85 = arith.constant 0 : i32
        %dma_wait3A_86 = tpu.memref_slice %arg9[%mul3A_50, %dma_wait3A_85] : memref<40x128xi32, #tpu.memory_space<vmem>> -> memref<1x128xi32, #tpu.memory_space<vmem>>
        %dma_wait3A_87 = tpu.memref_squeeze %dma_wait3A_86 : memref<1x128xi32, #tpu.memory_space<vmem>> -> memref<128xi32, #tpu.memory_space<vmem>>
        %dma_wait3A_88 = arith.constant 0 : i32
        %dma_wait3A_89 = arith.constant 0 : i32
        %dma_wait3A_90 = tpu.memref_slice %arg12[%dma_wait3A_88, %dma_wait3A_89] : memref<10240x128xf32, #tpu.memory_space<vmem_shared>> -> memref<10240x128xf32, #tpu.memory_space<vmem_shared>>
        tpu.wait_indirect_dma semaphore(%run_scoped3A : memref<!tpu.dma_semaphore, #tpu.memory_space<semaphore_mem>>) src(%arg10 : memref<128x128xf32, #tpu.memory_space<vmem>>) dst(%dma_wait3A_90 : memref<10240x128xf32, #tpu.memory_space<vmem_shared>>)
        tpu.yield
      }) : () -> ()
      %lt3A_64 = arith.constant 19 : i32
      %lt3A_65 = arith.cmpi slt, %scan3A_48, %lt3A_64 : i32
      %convert_element_type3A_66 = arith.extui %lt3A_65 : i1 to i32
      %cond3A_67 = arith.constant 0 : i32
      %cond3A_68 = arith.cmpi ne, %convert_element_type3A_66, %cond3A_67 : i32
      scf.if %cond3A_68 {
        %add3A_79 = arith.constant 2 : i32
        %add3A_80 = arith.addi %mul3A_50, %add3A_79 : i32
        %dma_start3A_81 = arith.constant 0 : i32
        %dma_start3A_82 = tpu.memref_slice %arg8[%add3A_80, %dma_start3A_81] : memref<40x128xi32, #tpu.memory_space<vmem>> -> memref<1x128xi32, #tpu.memory_space<vmem>>
        %dma_start3A_83 = tpu.memref_squeeze %dma_start3A_82 : memref<1x128xi32, #tpu.memory_space<vmem>> -> memref<128xi32, #tpu.memory_space<vmem>>
        %dma_start3A_84 = arith.constant 0 : i32
        %dma_start3A_85 = arith.constant 0 : i32
        %dma_start3A_86 = tpu.memref_slice %arg2[%dma_start3A_84, %dma_start3A_85] : memref<10000x128xf32, #tpu.memory_space<hbm>> -> memref<10000x128xf32, #tpu.memory_space<hbm>>
        tpu.enqueue_indirect_dma source(%dma_start3A_86 : memref<10000x128xf32, #tpu.memory_space<hbm>>) target(%arg10 : memref<128x128xf32, #tpu.memory_space<vmem>>) offsets(%dma_start3A_83 : memref<128xi32, #tpu.memory_space<vmem>>) semaphore(%arg13 : memref<!tpu.dma_semaphore, #tpu.memory_space<semaphore_mem>>)
      } else {
      }
      %add3A_69 = arith.constant 1 : i32
      %add3A_70 = arith.addi %mul3A_50, %add3A_69 : i32
      %dma_wait3A_71 = arith.constant 0 : i32
      %dma_wait3A_72 = tpu.memref_slice %arg8[%add3A_70, %dma_wait3A_71] : memref<40x128xi32, #tpu.memory_space<vmem>> -> memref<1x128xi32, #tpu.memory_space<vmem>>
      %dma_wait3A_73 = tpu.memref_squeeze %dma_wait3A_72 : memref<1x128xi32, #tpu.memory_space<vmem>> -> memref<128xi32, #tpu.memory_space<vmem>>
      %dma_wait3A_74 = arith.constant 0 : i32
      %dma_wait3A_75 = arith.constant 0 : i32
      %dma_wait3A_76 = tpu.memref_slice %arg2[%dma_wait3A_74, %dma_wait3A_75] : memref<10000x128xf32, #tpu.memory_space<hbm>> -> memref<10000x128xf32, #tpu.memory_space<hbm>>
      tpu.wait_indirect_dma semaphore(%arg14 : memref<!tpu.dma_semaphore, #tpu.memory_space<semaphore_mem>>) src(%dma_wait3A_76 : memref<10000x128xf32, #tpu.memory_space<hbm>>) dst(%arg11 : memref<128x128xf32, #tpu.memory_space<vmem>>)
      %add3A_77 = arith.constant 1 : i32
      %add3A_78 = arith.addi %mul3A_50, %add3A_77 : i32
      "tpu.region"() ({
        %run_scoped3A = tpu.sem_alloc : memref<!tpu.dma_semaphore, #tpu.memory_space<semaphore_mem>>
        %dma_start3A_79 = arith.constant 0 : i32
        %dma_start3A_80 = tpu.memref_slice %arg9[%add3A_78, %dma_start3A_79] : memref<40x128xi32, #tpu.memory_space<vmem>> -> memref<1x128xi32, #tpu.memory_space<vmem>>
        %dma_start3A_81 = tpu.memref_squeeze %dma_start3A_80 : memref<1x128xi32, #tpu.memory_space<vmem>> -> memref<128xi32, #tpu.memory_space<vmem>>
        %dma_start3A_82 = arith.constant 0 : i32
        %dma_start3A_83 = arith.constant 0 : i32
        %dma_start3A_84 = tpu.memref_slice %arg12[%dma_start3A_82, %dma_start3A_83] : memref<10240x128xf32, #tpu.memory_space<vmem_shared>> -> memref<10240x128xf32, #tpu.memory_space<vmem_shared>>
        tpu.enqueue_indirect_dma source(%arg11 : memref<128x128xf32, #tpu.memory_space<vmem>>) target(%dma_start3A_84 : memref<10240x128xf32, #tpu.memory_space<vmem_shared>>) offsets(%dma_start3A_81 : memref<128xi32, #tpu.memory_space<vmem>>) semaphore(%run_scoped3A : memref<!tpu.dma_semaphore, #tpu.memory_space<semaphore_mem>>) {add = true}
        %dma_wait3A_85 = arith.constant 0 : i32
        %dma_wait3A_86 = tpu.memref_slice %arg9[%add3A_78, %dma_wait3A_85] : memref<40x128xi32, #tpu.memory_space<vmem>> -> memref<1x128xi32, #tpu.memory_space<vmem>>
        %dma_wait3A_87 = tpu.memref_squeeze %dma_wait3A_86 : memref<1x128xi32, #tpu.memory_space<vmem>> -> memref<128xi32, #tpu.memory_space<vmem>>
        %dma_wait3A_88 = arith.constant 0 : i32
        %dma_wait3A_89 = arith.constant 0 : i32
        %dma_wait3A_90 = tpu.memref_slice %arg12[%dma_wait3A_88, %dma_wait3A_89] : memref<10240x128xf32, #tpu.memory_space<vmem_shared>> -> memref<10240x128xf32, #tpu.memory_space<vmem_shared>>
        tpu.wait_indirect_dma semaphore(%run_scoped3A : memref<!tpu.dma_semaphore, #tpu.memory_space<semaphore_mem>>) src(%arg11 : memref<128x128xf32, #tpu.memory_space<vmem>>) dst(%dma_wait3A_90 : memref<10240x128xf32, #tpu.memory_space<vmem_shared>>)
        tpu.yield
      }) : () -> ()
    }
    %scan3A_19 = arith.constant 20 : i32
    %lt3A_20 = arith.constant 31 : i32
    %lt3A_21 = arith.cmpi slt, %add3A, %lt3A_20 : i32
    %convert_element_type3A_22 = arith.extui %lt3A_21 : i1 to i32
    %cond3A_23 = arith.constant 0 : i32
    %cond3A_24 = arith.cmpi ne, %convert_element_type3A_22, %cond3A_23 : i32
    scf.if %cond3A_24 {
      %mul3A_48 = arith.constant 80 : i32
      %mul3A_49 = arith.muli %add3A, %mul3A_48 : i32
      %add3A_50 = arith.constant 40 : i32
      %add3A_51 = arith.addi %mul3A_49, %add3A_50 : i32
      %run_scoped3A = arith.constant 0 : i32
      "tpu.region"() ({
        %run_scoped3A_53 = tpu.sem_alloc : memref<!tpu.dma_semaphore, #tpu.memory_space<semaphore_mem>>
        %dma_start3A_54 = arith.constant 0 : i32
        %dma_start3A_55 = tpu.memref_slice %arg3[%run_scoped3A, %add3A_51, %dma_start3A_54] : memref<2x2500x128xi32, #tpu.memory_space<hbm>> -> memref<1x40x128xi32, #tpu.memory_space<hbm>>
        %dma_start3A_56 = tpu.memref_squeeze %dma_start3A_55 : memref<1x40x128xi32, #tpu.memory_space<hbm>> -> memref<40x128xi32, #tpu.memory_space<hbm>>
        %dma_start3A_57 = arith.constant 0 : i32
        %dma_start3A_58 = tpu.memref_slice %arg3[%run_scoped3A, %add3A_51, %dma_start3A_57] : memref<2x2500x128xi32, #tpu.memory_space<hbm>> -> memref<1x40x128xi32, #tpu.memory_space<hbm>>
        %dma_start3A_59 = tpu.memref_squeeze %dma_start3A_58 : memref<1x40x128xi32, #tpu.memory_space<hbm>> -> memref<40x128xi32, #tpu.memory_space<hbm>>
        tpu.enqueue_dma source(%dma_start3A_59 : memref<40x128xi32, #tpu.memory_space<hbm>>) target(%arg8 : memref<40x128xi32, #tpu.memory_space<vmem>>) target_semaphore(%run_scoped3A_53 : memref<!tpu.dma_semaphore, #tpu.memory_space<semaphore_mem>>)
        %dma_wait3A = arith.constant 0 : i32
        %dma_wait3A_60 = tpu.memref_slice %arg3[%run_scoped3A, %add3A_51, %dma_wait3A] : memref<2x2500x128xi32, #tpu.memory_space<hbm>> -> memref<1x40x128xi32, #tpu.memory_space<hbm>>
        %dma_wait3A_61 = tpu.memref_squeeze %dma_wait3A_60 : memref<1x40x128xi32, #tpu.memory_space<hbm>> -> memref<40x128xi32, #tpu.memory_space<hbm>>
        %dma_wait3A_62 = arith.constant 0 : i32
        %dma_wait3A_63 = tpu.memref_slice %arg3[%run_scoped3A, %add3A_51, %dma_wait3A_62] : memref<2x2500x128xi32, #tpu.memory_space<hbm>> -> memref<1x40x128xi32, #tpu.memory_space<hbm>>
        %dma_wait3A_64 = tpu.memref_squeeze %dma_wait3A_63 : memref<1x40x128xi32, #tpu.memory_space<hbm>> -> memref<40x128xi32, #tpu.memory_space<hbm>>
        tpu.wait_dma2 semaphore(%run_scoped3A_53 : memref<!tpu.dma_semaphore, #tpu.memory_space<semaphore_mem>>) src(%dma_wait3A_64 : memref<40x128xi32, #tpu.memory_space<hbm>>) dst(%arg8 : memref<40x128xi32, #tpu.memory_space<vmem>>)
        tpu.yield
      }) : () -> ()
      %run_scoped3A_52 = arith.constant 1 : i32
      "tpu.region"() ({
        %run_scoped3A_53 = tpu.sem_alloc : memref<!tpu.dma_semaphore, #tpu.memory_space<semaphore_mem>>
        %dma_start3A_54 = arith.constant 0 : i32
        %dma_start3A_55 = tpu.memref_slice %arg3[%run_scoped3A_52, %add3A_51, %dma_start3A_54] : memref<2x2500x128xi32, #tpu.memory_space<hbm>> -> memref<1x40x128xi32, #tpu.memory_space<hbm>>
        %dma_start3A_56 = tpu.memref_squeeze %dma_start3A_55 : memref<1x40x128xi32, #tpu.memory_space<hbm>> -> memref<40x128xi32, #tpu.memory_space<hbm>>
        %dma_start3A_57 = arith.constant 0 : i32
        %dma_start3A_58 = tpu.memref_slice %arg3[%run_scoped3A_52, %add3A_51, %dma_start3A_57] : memref<2x2500x128xi32, #tpu.memory_space<hbm>> -> memref<1x40x128xi32, #tpu.memory_space<hbm>>
        %dma_start3A_59 = tpu.memref_squeeze %dma_start3A_58 : memref<1x40x128xi32, #tpu.memory_space<hbm>> -> memref<40x128xi32, #tpu.memory_space<hbm>>
        tpu.enqueue_dma source(%dma_start3A_59 : memref<40x128xi32, #tpu.memory_space<hbm>>) target(%arg9 : memref<40x128xi32, #tpu.memory_space<vmem>>) target_semaphore(%run_scoped3A_53 : memref<!tpu.dma_semaphore, #tpu.memory_space<semaphore_mem>>)
        %dma_wait3A = arith.constant 0 : i32
        %dma_wait3A_60 = tpu.memref_slice %arg3[%run_scoped3A_52, %add3A_51, %dma_wait3A] : memref<2x2500x128xi32, #tpu.memory_space<hbm>> -> memref<1x40x128xi32, #tpu.memory_space<hbm>>
        %dma_wait3A_61 = tpu.memref_squeeze %dma_wait3A_60 : memref<1x40x128xi32, #tpu.memory_space<hbm>> -> memref<40x128xi32, #tpu.memory_space<hbm>>
        %dma_wait3A_62 = arith.constant 0 : i32
        %dma_wait3A_63 = tpu.memref_slice %arg3[%run_scoped3A_52, %add3A_51, %dma_wait3A_62] : memref<2x2500x128xi32, #tpu.memory_space<hbm>> -> memref<1x40x128xi32, #tpu.memory_space<hbm>>
        %dma_wait3A_64 = tpu.memref_squeeze %dma_wait3A_63 : memref<1x40x128xi32, #tpu.memory_space<hbm>> -> memref<40x128xi32, #tpu.memory_space<hbm>>
        tpu.wait_dma2 semaphore(%run_scoped3A_53 : memref<!tpu.dma_semaphore, #tpu.memory_space<semaphore_mem>>) src(%dma_wait3A_64 : memref<40x128xi32, #tpu.memory_space<hbm>>) dst(%arg9 : memref<40x128xi32, #tpu.memory_space<vmem>>)
        tpu.yield
      }) : () -> ()
    } else {
    }
    %eq3A_25 = arith.constant 31 : i32
    %eq3A_26 = arith.cmpi eq, %add3A, %eq3A_25 : i32
    %convert_element_type3A_27 = arith.extui %eq3A_26 : i1 to i32
    %cond3A_28 = arith.constant 0 : i32
    %cond3A_29 = arith.cmpi ne, %convert_element_type3A_27, %cond3A_28 : i32
    scf.if %cond3A_29 {
      "tpu.region"() ({
        %run_scoped3A = tpu.sem_alloc : memref<!tpu.dma_semaphore, #tpu.memory_space<semaphore_mem>>
        %dma_start3A_48 = arith.constant 40 : i32
        %dma_start3A_49 = arith.constant 0 : i32
        %dma_start3A_50 = tpu.memref_slice %arg4[%dma_start3A_48, %dma_start3A_49] : memref<80x128xi32, #tpu.memory_space<hbm>> -> memref<40x128xi32, #tpu.memory_space<hbm>>
        %dma_start3A_51 = arith.constant 40 : i32
        %dma_start3A_52 = arith.constant 0 : i32
        %dma_start3A_53 = tpu.memref_slice %arg4[%dma_start3A_51, %dma_start3A_52] : memref<80x128xi32, #tpu.memory_space<hbm>> -> memref<40x128xi32, #tpu.memory_space<hbm>>
        tpu.enqueue_dma source(%dma_start3A_53 : memref<40x128xi32, #tpu.memory_space<hbm>>) target(%arg8 : memref<40x128xi32, #tpu.memory_space<vmem>>) target_semaphore(%run_scoped3A : memref<!tpu.dma_semaphore, #tpu.memory_space<semaphore_mem>>)
        %dma_wait3A = arith.constant 40 : i32
        %dma_wait3A_54 = arith.constant 0 : i32
        %dma_wait3A_55 = tpu.memref_slice %arg4[%dma_wait3A, %dma_wait3A_54] : memref<80x128xi32, #tpu.memory_space<hbm>> -> memref<40x128xi32, #tpu.memory_space<hbm>>
        %dma_wait3A_56 = arith.constant 40 : i32
        %dma_wait3A_57 = arith.constant 0 : i32
        %dma_wait3A_58 = tpu.memref_slice %arg4[%dma_wait3A_56, %dma_wait3A_57] : memref<80x128xi32, #tpu.memory_space<hbm>> -> memref<40x128xi32, #tpu.memory_space<hbm>>
        tpu.wait_dma2 semaphore(%run_scoped3A : memref<!tpu.dma_semaphore, #tpu.memory_space<semaphore_mem>>) src(%dma_wait3A_58 : memref<40x128xi32, #tpu.memory_space<hbm>>) dst(%arg8 : memref<40x128xi32, #tpu.memory_space<vmem>>)
        tpu.yield
      }) : () -> ()
      "tpu.region"() ({
        %run_scoped3A = tpu.sem_alloc : memref<!tpu.dma_semaphore, #tpu.memory_space<semaphore_mem>>
        %dma_start3A_48 = arith.constant 40 : i32
        %dma_start3A_49 = arith.constant 0 : i32
        %dma_start3A_50 = tpu.memref_slice %arg5[%dma_start3A_48, %dma_start3A_49] : memref<80x128xi32, #tpu.memory_space<hbm>> -> memref<40x128xi32, #tpu.memory_space<hbm>>
        %dma_start3A_51 = arith.constant 40 : i32
        %dma_start3A_52 = arith.constant 0 : i32
        %dma_start3A_53 = tpu.memref_slice %arg5[%dma_start3A_51, %dma_start3A_52] : memref<80x128xi32, #tpu.memory_space<hbm>> -> memref<40x128xi32, #tpu.memory_space<hbm>>
        tpu.enqueue_dma source(%dma_start3A_53 : memref<40x128xi32, #tpu.memory_space<hbm>>) target(%arg9 : memref<40x128xi32, #tpu.memory_space<vmem>>) target_semaphore(%run_scoped3A : memref<!tpu.dma_semaphore, #tpu.memory_space<semaphore_mem>>)
        %dma_wait3A = arith.constant 40 : i32
        %dma_wait3A_54 = arith.constant 0 : i32
        %dma_wait3A_55 = tpu.memref_slice %arg5[%dma_wait3A, %dma_wait3A_54] : memref<80x128xi32, #tpu.memory_space<hbm>> -> memref<40x128xi32, #tpu.memory_space<hbm>>
        %dma_wait3A_56 = arith.constant 40 : i32
        %dma_wait3A_57 = arith.constant 0 : i32
        %dma_wait3A_58 = tpu.memref_slice %arg5[%dma_wait3A_56, %dma_wait3A_57] : memref<80x128xi32, #tpu.memory_space<hbm>> -> memref<40x128xi32, #tpu.memory_space<hbm>>
        tpu.wait_dma2 semaphore(%run_scoped3A : memref<!tpu.dma_semaphore, #tpu.memory_space<semaphore_mem>>) src(%dma_wait3A_58 : memref<40x128xi32, #tpu.memory_space<hbm>>) dst(%arg9 : memref<40x128xi32, #tpu.memory_space<vmem>>)
        tpu.yield
      }) : () -> ()
    } else {
    }
    %dma_start3A_30 = arith.constant 0 : i32
    %dma_start3A_31 = arith.constant 0 : i32
    %dma_start3A_32 = tpu.memref_slice %arg8[%dma_start3A_30, %dma_start3A_31] : memref<40x128xi32, #tpu.memory_space<vmem>> -> memref<1x128xi32, #tpu.memory_space<vmem>>
    %dma_start3A_33 = tpu.memref_squeeze %dma_start3A_32 : memref<1x128xi32, #tpu.memory_space<vmem>> -> memref<128xi32, #tpu.memory_space<vmem>>
    %dma_start3A_34 = arith.constant 0 : i32
    %dma_start3A_35 = arith.constant 0 : i32
    %dma_start3A_36 = tpu.memref_slice %arg2[%dma_start3A_34, %dma_start3A_35] : memref<10000x128xf32, #tpu.memory_space<hbm>> -> memref<10000x128xf32, #tpu.memory_space<hbm>>
    tpu.enqueue_indirect_dma source(%dma_start3A_36 : memref<10000x128xf32, #tpu.memory_space<hbm>>) target(%arg10 : memref<128x128xf32, #tpu.memory_space<vmem>>) offsets(%dma_start3A_33 : memref<128xi32, #tpu.memory_space<vmem>>) semaphore(%arg13 : memref<!tpu.dma_semaphore, #tpu.memory_space<semaphore_mem>>)
    %scan3A_37 = arith.constant 0 : i32
    %scan3A_38 = arith.constant 0 : i32
    %scan3A_39 = arith.constant 20 : i32
    %scan3A_40 = arith.addi %scan3A_38, %scan3A_39 : i32
    %scan3A_41 = arith.constant 1 : i32
    scf.for %scan3A_48 = %scan3A_38 to %scan3A_40 step %scan3A_41  : i32 {
      %mul3A_49 = arith.constant 2 : i32
      %mul3A_50 = arith.muli %mul3A_49, %scan3A_48 : i32
      %add3A_51 = arith.constant 1 : i32
      %add3A_52 = arith.addi %mul3A_50, %add3A_51 : i32
      %dma_start3A_53 = arith.constant 0 : i32
      %dma_start3A_54 = tpu.memref_slice %arg8[%add3A_52, %dma_start3A_53] : memref<40x128xi32, #tpu.memory_space<vmem>> -> memref<1x128xi32, #tpu.memory_space<vmem>>
      %dma_start3A_55 = tpu.memref_squeeze %dma_start3A_54 : memref<1x128xi32, #tpu.memory_space<vmem>> -> memref<128xi32, #tpu.memory_space<vmem>>
      %dma_start3A_56 = arith.constant 0 : i32
      %dma_start3A_57 = arith.constant 0 : i32
      %dma_start3A_58 = tpu.memref_slice %arg2[%dma_start3A_56, %dma_start3A_57] : memref<10000x128xf32, #tpu.memory_space<hbm>> -> memref<10000x128xf32, #tpu.memory_space<hbm>>
      tpu.enqueue_indirect_dma source(%dma_start3A_58 : memref<10000x128xf32, #tpu.memory_space<hbm>>) target(%arg11 : memref<128x128xf32, #tpu.memory_space<vmem>>) offsets(%dma_start3A_55 : memref<128xi32, #tpu.memory_space<vmem>>) semaphore(%arg14 : memref<!tpu.dma_semaphore, #tpu.memory_space<semaphore_mem>>)
      %dma_wait3A = arith.constant 0 : i32
      %dma_wait3A_59 = tpu.memref_slice %arg8[%mul3A_50, %dma_wait3A] : memref<40x128xi32, #tpu.memory_space<vmem>> -> memref<1x128xi32, #tpu.memory_space<vmem>>
      %dma_wait3A_60 = tpu.memref_squeeze %dma_wait3A_59 : memref<1x128xi32, #tpu.memory_space<vmem>> -> memref<128xi32, #tpu.memory_space<vmem>>
      %dma_wait3A_61 = arith.constant 0 : i32
      %dma_wait3A_62 = arith.constant 0 : i32
      %dma_wait3A_63 = tpu.memref_slice %arg2[%dma_wait3A_61, %dma_wait3A_62] : memref<10000x128xf32, #tpu.memory_space<hbm>> -> memref<10000x128xf32, #tpu.memory_space<hbm>>
      tpu.wait_indirect_dma semaphore(%arg13 : memref<!tpu.dma_semaphore, #tpu.memory_space<semaphore_mem>>) src(%dma_wait3A_63 : memref<10000x128xf32, #tpu.memory_space<hbm>>) dst(%arg10 : memref<128x128xf32, #tpu.memory_space<vmem>>)
      "tpu.region"() ({
        %run_scoped3A = tpu.sem_alloc : memref<!tpu.dma_semaphore, #tpu.memory_space<semaphore_mem>>
        %dma_start3A_79 = arith.constant 0 : i32
        %dma_start3A_80 = tpu.memref_slice %arg9[%mul3A_50, %dma_start3A_79] : memref<40x128xi32, #tpu.memory_space<vmem>> -> memref<1x128xi32, #tpu.memory_space<vmem>>
        %dma_start3A_81 = tpu.memref_squeeze %dma_start3A_80 : memref<1x128xi32, #tpu.memory_space<vmem>> -> memref<128xi32, #tpu.memory_space<vmem>>
        %dma_start3A_82 = arith.constant 0 : i32
        %dma_start3A_83 = arith.constant 0 : i32
        %dma_start3A_84 = tpu.memref_slice %arg12[%dma_start3A_82, %dma_start3A_83] : memref<10240x128xf32, #tpu.memory_space<vmem_shared>> -> memref<10240x128xf32, #tpu.memory_space<vmem_shared>>
        tpu.enqueue_indirect_dma source(%arg10 : memref<128x128xf32, #tpu.memory_space<vmem>>) target(%dma_start3A_84 : memref<10240x128xf32, #tpu.memory_space<vmem_shared>>) offsets(%dma_start3A_81 : memref<128xi32, #tpu.memory_space<vmem>>) semaphore(%run_scoped3A : memref<!tpu.dma_semaphore, #tpu.memory_space<semaphore_mem>>) {add = true}
        %dma_wait3A_85 = arith.constant 0 : i32
        %dma_wait3A_86 = tpu.memref_slice %arg9[%mul3A_50, %dma_wait3A_85] : memref<40x128xi32, #tpu.memory_space<vmem>> -> memref<1x128xi32, #tpu.memory_space<vmem>>
        %dma_wait3A_87 = tpu.memref_squeeze %dma_wait3A_86 : memref<1x128xi32, #tpu.memory_space<vmem>> -> memref<128xi32, #tpu.memory_space<vmem>>
        %dma_wait3A_88 = arith.constant 0 : i32
        %dma_wait3A_89 = arith.constant 0 : i32
        %dma_wait3A_90 = tpu.memref_slice %arg12[%dma_wait3A_88, %dma_wait3A_89] : memref<10240x128xf32, #tpu.memory_space<vmem_shared>> -> memref<10240x128xf32, #tpu.memory_space<vmem_shared>>
        tpu.wait_indirect_dma semaphore(%run_scoped3A : memref<!tpu.dma_semaphore, #tpu.memory_space<semaphore_mem>>) src(%arg10 : memref<128x128xf32, #tpu.memory_space<vmem>>) dst(%dma_wait3A_90 : memref<10240x128xf32, #tpu.memory_space<vmem_shared>>)
        tpu.yield
      }) : () -> ()
      %lt3A_64 = arith.constant 19 : i32
      %lt3A_65 = arith.cmpi slt, %scan3A_48, %lt3A_64 : i32
      %convert_element_type3A_66 = arith.extui %lt3A_65 : i1 to i32
      %cond3A_67 = arith.constant 0 : i32
      %cond3A_68 = arith.cmpi ne, %convert_element_type3A_66, %cond3A_67 : i32
      scf.if %cond3A_68 {
        %add3A_79 = arith.constant 2 : i32
        %add3A_80 = arith.addi %mul3A_50, %add3A_79 : i32
        %dma_start3A_81 = arith.constant 0 : i32
        %dma_start3A_82 = tpu.memref_slice %arg8[%add3A_80, %dma_start3A_81] : memref<40x128xi32, #tpu.memory_space<vmem>> -> memref<1x128xi32, #tpu.memory_space<vmem>>
        %dma_start3A_83 = tpu.memref_squeeze %dma_start3A_82 : memref<1x128xi32, #tpu.memory_space<vmem>> -> memref<128xi32, #tpu.memory_space<vmem>>
        %dma_start3A_84 = arith.constant 0 : i32
        %dma_start3A_85 = arith.constant 0 : i32
        %dma_start3A_86 = tpu.memref_slice %arg2[%dma_start3A_84, %dma_start3A_85] : memref<10000x128xf32, #tpu.memory_space<hbm>> -> memref<10000x128xf32, #tpu.memory_space<hbm>>
        tpu.enqueue_indirect_dma source(%dma_start3A_86 : memref<10000x128xf32, #tpu.memory_space<hbm>>) target(%arg10 : memref<128x128xf32, #tpu.memory_space<vmem>>) offsets(%dma_start3A_83 : memref<128xi32, #tpu.memory_space<vmem>>) semaphore(%arg13 : memref<!tpu.dma_semaphore, #tpu.memory_space<semaphore_mem>>)
      } else {
      }
      %add3A_69 = arith.constant 1 : i32
      %add3A_70 = arith.addi %mul3A_50, %add3A_69 : i32
      %dma_wait3A_71 = arith.constant 0 : i32
      %dma_wait3A_72 = tpu.memref_slice %arg8[%add3A_70, %dma_wait3A_71] : memref<40x128xi32, #tpu.memory_space<vmem>> -> memref<1x128xi32, #tpu.memory_space<vmem>>
      %dma_wait3A_73 = tpu.memref_squeeze %dma_wait3A_72 : memref<1x128xi32, #tpu.memory_space<vmem>> -> memref<128xi32, #tpu.memory_space<vmem>>
      %dma_wait3A_74 = arith.constant 0 : i32
      %dma_wait3A_75 = arith.constant 0 : i32
      %dma_wait3A_76 = tpu.memref_slice %arg2[%dma_wait3A_74, %dma_wait3A_75] : memref<10000x128xf32, #tpu.memory_space<hbm>> -> memref<10000x128xf32, #tpu.memory_space<hbm>>
      tpu.wait_indirect_dma semaphore(%arg14 : memref<!tpu.dma_semaphore, #tpu.memory_space<semaphore_mem>>) src(%dma_wait3A_76 : memref<10000x128xf32, #tpu.memory_space<hbm>>) dst(%arg11 : memref<128x128xf32, #tpu.memory_space<vmem>>)
      %add3A_77 = arith.constant 1 : i32
      %add3A_78 = arith.addi %mul3A_50, %add3A_77 : i32
      "tpu.region"() ({
        %run_scoped3A = tpu.sem_alloc : memref<!tpu.dma_semaphore, #tpu.memory_space<semaphore_mem>>
        %dma_start3A_79 = arith.constant 0 : i32
        %dma_start3A_80 = tpu.memref_slice %arg9[%add3A_78, %dma_start3A_79] : memref<40x128xi32, #tpu.memory_space<vmem>> -> memref<1x128xi32, #tpu.memory_space<vmem>>
        %dma_start3A_81 = tpu.memref_squeeze %dma_start3A_80 : memref<1x128xi32, #tpu.memory_space<vmem>> -> memref<128xi32, #tpu.memory_space<vmem>>
        %dma_start3A_82 = arith.constant 0 : i32
        %dma_start3A_83 = arith.constant 0 : i32
        %dma_start3A_84 = tpu.memref_slice %arg12[%dma_start3A_82, %dma_start3A_83] : memref<10240x128xf32, #tpu.memory_space<vmem_shared>> -> memref<10240x128xf32, #tpu.memory_space<vmem_shared>>
        tpu.enqueue_indirect_dma source(%arg11 : memref<128x128xf32, #tpu.memory_space<vmem>>) target(%dma_start3A_84 : memref<10240x128xf32, #tpu.memory_space<vmem_shared>>) offsets(%dma_start3A_81 : memref<128xi32, #tpu.memory_space<vmem>>) semaphore(%run_scoped3A : memref<!tpu.dma_semaphore, #tpu.memory_space<semaphore_mem>>) {add = true}
        %dma_wait3A_85 = arith.constant 0 : i32
        %dma_wait3A_86 = tpu.memref_slice %arg9[%add3A_78, %dma_wait3A_85] : memref<40x128xi32, #tpu.memory_space<vmem>> -> memref<1x128xi32, #tpu.memory_space<vmem>>
        %dma_wait3A_87 = tpu.memref_squeeze %dma_wait3A_86 : memref<1x128xi32, #tpu.memory_space<vmem>> -> memref<128xi32, #tpu.memory_space<vmem>>
        %dma_wait3A_88 = arith.constant 0 : i32
        %dma_wait3A_89 = arith.constant 0 : i32
        %dma_wait3A_90 = tpu.memref_slice %arg12[%dma_wait3A_88, %dma_wait3A_89] : memref<10240x128xf32, #tpu.memory_space<vmem_shared>> -> memref<10240x128xf32, #tpu.memory_space<vmem_shared>>
        tpu.wait_indirect_dma semaphore(%run_scoped3A : memref<!tpu.dma_semaphore, #tpu.memory_space<semaphore_mem>>) src(%arg11 : memref<128x128xf32, #tpu.memory_space<vmem>>) dst(%dma_wait3A_90 : memref<10240x128xf32, #tpu.memory_space<vmem_shared>>)
        tpu.yield
      }) : () -> ()
    }
    %scan3A_42 = arith.constant 20 : i32
    %barrier3A_43 = arith.constant 0 : index
    tpu.barrier barrier_id(%barrier3A_43)
    %mul3A_44 = arith.constant 640 : i32
    %mul3A_45 = arith.muli %arg1, %mul3A_44 : i32
    %mul3A_46 = arith.constant 640 : i32
    %mul3A_47 = arith.muli %arg1, %mul3A_46 : i32
    "tpu.region"() ({
      %run_scoped3A = tpu.sem_alloc : memref<!tpu.dma_semaphore, #tpu.memory_space<semaphore_mem>>
      %dma_start3A_48 = arith.constant 0 : i32
      %dma_start3A_49 = tpu.memref_slice %arg7[%arg0, %mul3A_47, %dma_start3A_48] : memref<2x10240x128xf32, #tpu.memory_space<hbm>> -> memref<1x640x128xf32, #tpu.memory_space<hbm>>
      %dma_start3A_50 = tpu.memref_squeeze %dma_start3A_49 : memref<1x640x128xf32, #tpu.memory_space<hbm>> -> memref<640x128xf32, #tpu.memory_space<hbm>>
      %dma_start3A_51 = arith.constant 0 : i32
      %dma_start3A_52 = tpu.memref_slice %arg12[%mul3A_45, %dma_start3A_51] : memref<10240x128xf32, #tpu.memory_space<vmem_shared>> -> memref<640x128xf32, #tpu.memory_space<vmem_shared>>
      tpu.enqueue_dma source(%dma_start3A_52 : memref<640x128xf32, #tpu.memory_space<vmem_shared>>) target(%dma_start3A_50 : memref<640x128xf32, #tpu.memory_space<hbm>>) target_semaphore(%run_scoped3A : memref<!tpu.dma_semaphore, #tpu.memory_space<semaphore_mem>>)
      %dma_wait3A = arith.constant 0 : i32
      %dma_wait3A_53 = tpu.memref_slice %arg7[%arg0, %mul3A_47, %dma_wait3A] : memref<2x10240x128xf32, #tpu.memory_space<hbm>> -> memref<1x640x128xf32, #tpu.memory_space<hbm>>
      %dma_wait3A_54 = tpu.memref_squeeze %dma_wait3A_53 : memref<1x640x128xf32, #tpu.memory_space<hbm>> -> memref<640x128xf32, #tpu.memory_space<hbm>>
      %dma_wait3A_55 = arith.constant 0 : i32
      %dma_wait3A_56 = tpu.memref_slice %arg12[%mul3A_45, %dma_wait3A_55] : memref<10240x128xf32, #tpu.memory_space<vmem_shared>> -> memref<640x128xf32, #tpu.memory_space<vmem_shared>>
      tpu.wait_dma2 semaphore(%run_scoped3A : memref<!tpu.dma_semaphore, #tpu.memory_space<semaphore_mem>>) src(%dma_wait3A_56 : memref<640x128xf32, #tpu.memory_space<vmem_shared>>) dst(%dma_wait3A_54 : memref<640x128xf32, #tpu.memory_space<hbm>>)
      tpu.yield
    }) : () -> ()
    return
  }
}

module attributes {stable_mosaic.version = 14 : i64} {
  func.func @_mlp_body(%arg0: i32, %arg1: memref<5000x128xf32, #tpu.memory_space<vmem>>, %arg2: memref<2x5000x128xf32, #tpu.memory_space<vmem>>, %arg3: memref<128x128xf32, #tpu.memory_space<vmem>>, %arg4: memref<1x128xf32, #tpu.memory_space<vmem>>, %arg5: memref<128x128xf32, #tpu.memory_space<vmem>>, %arg6: memref<1x128xf32, #tpu.memory_space<vmem>>, %arg7: memref<5000x128xf32, #tpu.memory_space<vmem>>) attributes {dimension_semantics = [#tpu.dimension_semantics<arbitrary>], iteration_bounds = array<i64: 2>, scalar_prefetch = 0 : i64, scratch_operands = 0 : i64, tpu.core_type = #tpu.core_type<tc>, window_params = [{transform_indices = @transform_0, window_bounds = array<i64: 5000, 128>}, {transform_indices = @transform_1, window_bounds = array<i64: 2, 5000, 128>}, {pipeline_mode = #tpu.pipeline_mode<synchronous>, transform_indices = @transform_2, window_bounds = array<i64: 128, 128>}, {pipeline_mode = #tpu.pipeline_mode<synchronous>, transform_indices = @transform_3, window_bounds = array<i64: 1, 128>}, {pipeline_mode = #tpu.pipeline_mode<synchronous>, transform_indices = @transform_4, window_bounds = array<i64: 128, 128>}, {pipeline_mode = #tpu.pipeline_mode<synchronous>, transform_indices = @transform_5, window_bounds = array<i64: 1, 128>}, {transform_indices = @transform_6, window_bounds = array<i64: 5000, 128>}]} {
    %get3A = arith.constant 0 : index
    %get3A_0 = arith.constant 0 : index
    %get3A_1 = vector.load %arg1[%get3A, %get3A_0] : memref<5000x128xf32, #tpu.memory_space<vmem>>, vector<5000x128xf32>
    %get3A_2 = arith.constant 0 : index
    %get3A_3 = arith.constant 0 : index
    %get3A_4 = arith.constant 0 : index
    %get3A_5 = vector.load %arg2[%get3A_2, %get3A_3, %get3A_4] : memref<2x5000x128xf32, #tpu.memory_space<vmem>>, vector<1x5000x128xf32>
    %get3A_6 = vector.shape_cast %get3A_5 : vector<1x5000x128xf32> to vector<5000x128xf32>
    %add3A = arith.addf %get3A_1, %get3A_6 : vector<5000x128xf32>
    %get3A_7 = arith.constant 1 : index
    %get3A_8 = arith.constant 0 : index
    %get3A_9 = arith.constant 0 : index
    %get3A_10 = vector.load %arg2[%get3A_7, %get3A_8, %get3A_9] : memref<2x5000x128xf32, #tpu.memory_space<vmem>>, vector<1x5000x128xf32>
    %get3A_11 = vector.shape_cast %get3A_10 : vector<1x5000x128xf32> to vector<5000x128xf32>
    %add3A_12 = arith.addf %add3A, %get3A_11 : vector<5000x128xf32>
    %get3A_13 = arith.constant 0 : index
    %get3A_14 = arith.constant 0 : index
    %get3A_15 = vector.load %arg3[%get3A_13, %get3A_14] : memref<128x128xf32, #tpu.memory_space<vmem>>, vector<128x128xf32>
    %dot_general3A = arith.constant dense<0.000000e+00> : vector<5000x128xf32>
    %dot_general3A_16 = tpu.matmul %add3A_12, %get3A_15, %dot_general3A {dimension_numbers = #tpu.dot_dimension_numbers<[1], [0], [0], [1], [0, 0, 1, 1], [], []>, transpose_lhs_hint = false} : vector<5000x128xf32>, vector<128x128xf32>, vector<5000x128xf32> -> vector<5000x128xf32>
    %get3A_17 = arith.constant 0 : index
    %get3A_18 = arith.constant 0 : index
    %get3A_19 = vector.load %arg4[%get3A_17, %get3A_18] : memref<1x128xf32, #tpu.memory_space<vmem>>, vector<1x128xf32>
    %add3A_20 = vector.broadcast %get3A_19 : vector<1x128xf32> to vector<5000x128xf32>
    %add3A_21 = arith.addf %dot_general3A_16, %add3A_20 : vector<5000x128xf32>
    %ge3A = arith.constant 0.000000e+00 : f32
    %ge3A_22 = vector.broadcast %ge3A : f32 to vector<5000x128xf32>
    %ge3A_23 = arith.cmpf oge, %add3A_21, %ge3A_22 : vector<5000x128xf32>
    %mul3A = arith.constant 0.00999999977 : f32
    %mul3A_24 = vector.broadcast %mul3A : f32 to vector<5000x128xf32>
    %mul3A_25 = arith.mulf %mul3A_24, %add3A_21 : vector<5000x128xf32>
    %select_n3A = arith.select %ge3A_23, %add3A_21, %mul3A_25 : vector<5000x128xi1>, vector<5000x128xf32>
    %get3A_26 = arith.constant 0 : index
    %get3A_27 = arith.constant 0 : index
    %get3A_28 = vector.load %arg5[%get3A_26, %get3A_27] : memref<128x128xf32, #tpu.memory_space<vmem>>, vector<128x128xf32>
    %dot_general3A_29 = arith.constant dense<0.000000e+00> : vector<5000x128xf32>
    %dot_general3A_30 = tpu.matmul %select_n3A, %get3A_28, %dot_general3A_29 {dimension_numbers = #tpu.dot_dimension_numbers<[1], [0], [0], [1], [0, 0, 1, 1], [], []>, transpose_lhs_hint = false} : vector<5000x128xf32>, vector<128x128xf32>, vector<5000x128xf32> -> vector<5000x128xf32>
    %get3A_31 = arith.constant 0 : index
    %get3A_32 = arith.constant 0 : index
    %get3A_33 = vector.load %arg6[%get3A_31, %get3A_32] : memref<1x128xf32, #tpu.memory_space<vmem>>, vector<1x128xf32>
    %add3A_34 = vector.broadcast %get3A_33 : vector<1x128xf32> to vector<5000x128xf32>
    %add3A_35 = arith.addf %dot_general3A_30, %add3A_34 : vector<5000x128xf32>
    %ge3A_36 = arith.constant 0.000000e+00 : f32
    %ge3A_37 = vector.broadcast %ge3A_36 : f32 to vector<5000x128xf32>
    %ge3A_38 = arith.cmpf oge, %add3A_35, %ge3A_37 : vector<5000x128xf32>
    %mul3A_39 = arith.constant 0.00999999977 : f32
    %mul3A_40 = vector.broadcast %mul3A_39 : f32 to vector<5000x128xf32>
    %mul3A_41 = arith.mulf %mul3A_40, %add3A_35 : vector<5000x128xf32>
    %select_n3A_42 = arith.select %ge3A_38, %add3A_35, %mul3A_41 : vector<5000x128xi1>, vector<5000x128xf32>
    %swap3A = arith.constant 0 : index
    %swap3A_43 = arith.constant 0 : index
    %swap3A_44 = vector.load %arg7[%swap3A, %swap3A_43] : memref<5000x128xf32, #tpu.memory_space<vmem>>, vector<5000x128xf32>
    tpu.vector_store %arg7[%swap3A, %swap3A_43], %select_n3A_42 {strides = array<i32>} : memref<5000x128xf32, #tpu.memory_space<vmem>>, vector<5000x128xf32>,
    return
  }
  func.func @transform_0(%arg0: i32) -> (i32, i32) {
    %c0_i32 = arith.constant 0 : i32
    %c0_i32_0 = arith.constant 0 : i32
    return %arg0, %c0_i32 : i32, i32
  }
  func.func @transform_1(%arg0: i32) -> (i32, i32, i32) {
    %c0_i32 = arith.constant 0 : i32
    %c0_i32_0 = arith.constant 0 : i32
    %c0_i32_1 = arith.constant 0 : i32
    return %c0_i32, %arg0, %c0_i32_0 : i32, i32, i32
  }
  func.func @transform_2(%arg0: i32) -> (i32, i32) {
    %c0_i32 = arith.constant 0 : i32
    %c0_i32_0 = arith.constant 0 : i32
    %c0_i32_1 = arith.constant 0 : i32
    return %c0_i32, %c0_i32_0 : i32, i32
  }
  func.func @transform_3(%arg0: i32) -> (i32, i32) {
    %c0_i32 = arith.constant 0 : i32
    %c0_i32_0 = arith.constant 0 : i32
    %c0_i32_1 = arith.constant 0 : i32
    return %c0_i32, %c0_i32_0 : i32, i32
  }
  func.func @transform_4(%arg0: i32) -> (i32, i32) {
    %c0_i32 = arith.constant 0 : i32
    %c0_i32_0 = arith.constant 0 : i32
    %c0_i32_1 = arith.constant 0 : i32
    return %c0_i32, %c0_i32_0 : i32, i32
  }
  func.func @transform_5(%arg0: i32) -> (i32, i32) {
    %c0_i32 = arith.constant 0 : i32
    %c0_i32_0 = arith.constant 0 : i32
    %c0_i32_1 = arith.constant 0 : i32
    return %c0_i32, %c0_i32_0 : i32, i32
  }
  func.func @transform_6(%arg0: i32) -> (i32, i32) {
    %c0_i32 = arith.constant 0 : i32
    %c0_i32_0 = arith.constant 0 : i32
    return %arg0, %c0_i32 : i32, i32
  }
}

</mosaic_0001>

<sc_bundles>
// kernel: kernel.4.cloned.1.call-start
scs
__scs_entry_jumppad:
0x0: {  	(pc) =	sbr.rel $0x88, $3  }
0x1: {  	(tag) =	ssettag $0x0;
	lr =	simm.s32 $0x1  }
0x2: {  	[smem:$0x3F9B] =	sst lr;
	_ =	strace $0xD0000000  }
0x3: {  	_ = 	snop  }
0x4: {  	_ = 	snop  }
0x5: {  	_ = 	snop  }
0x6: {  	_ = 	snop  }
0x7: {  	_ = 	snop  }
__scs_overlays_trampoline_lowered:
0x8: {  	[smem:$0x3FAA] =	sst s0  }
0x9: {  	[smem:$0x3FAB] =	sst s1  }
0xa: {  	[smem:$0x3FAC] =	sst s2  }
0xb: {  	[smem:$0x3FAD] =	sst s3  }
0xc: {  	[smem:$0x3FAE] =	sst s4  }
0xd: {  	[smem:$0x3FAF] =	sst s5  }
0xe: {  	[smem:$0x3FB0] =	sst s6  }
0xf: {  	[smem:$0x3FB1] =	sst s7  }
0x10: {  	[smem:$0x3FB2] =	sst s8  }
0x11: {  	[smem:$0x3FB3] =	sst s9;
	s0 =	simm.s32 @!p0 $0x0  }
0x12: {  	s1 =	sld [smem:$0x3F99];
	s0 =	simm.s32 @p0 $0x1  }
0x13: {  	[smem:$0x3FB4] =	sst s0;
	s0 =	simm.s32 @!p1 $0x0  }
0x14: {  	s2 =	sld [smem:$0x3F98];
	s0 =	simm.s32 @p1 $0x1  }
0x15: {  	[smem:$0x3FB5] =	sst s0;
	s0 =	simm.s32 @!p2 $0x0  }
0x16: {  	s3 =	sld [smem:$0x3FDB];
	s0 =	simm.s32 @p2 $0x1  }
0x17: {  	s4 =	simm.s32 $0x1BF5;
	[smem:$0x3FB7] =	sst s0  }
0x18: {  	s0 =	sld [smem:$0x3F9A];
	_ =	swait.ge [sflag:s4], $0x0  }
0x19: {  	s7 =	sld [smem:$0x3F9B]  }
0x1a: {  	s8 =	sadd.s32 $0xFFFFE003, lr  }
0x1b: {  	s9 =	sadd.s32 $0xFFFFFEF7, lr;
	s5 =	simm.s32 $0xFFFFFFFF;
	p2 =	slt.u32 s8, $0xFFFFF086  }
0x1c: {  	p1 =	slt.u32 s9, $0xF7A;
	s5 =	simm.s32 @!p2 $0x0  }
0x1d: {  	s5 =	simm.s32 @p1 $0x1;
	p0 =	seq.s32 s7, s2  }
0x1e: {  	s7 =	smul.u32 @!p0 $0xF7A, s2;
	p2 =	seq.s32 @!p0 s5, $0x0  }
0x1f: {  	s9 =	smul.u32 $0xF7A, s1;
	s8 =	simm.s32 @!p0 $0x1BF5;
	p2 =	por !p2, p0  }
0x20: {  	[sflag:s8] =	ssyncset.s32 @!p0 $0xFFFFF086;
	s6 =	sadd.s32 @!p0 s3, s7;
	s7 =	simm.s32 @!p0 $0x108  }
0x21: {  	s3 =	sadd.s32 s3, s9;
	s6 =	sadd.s32 @!p0 $0x88, s6;
	s7 =	simm.s32 @p2 $0x1082  }
0x22: {  	[simem:s7], [sflag:s8] =	dma.local @!p0 [hbm:s6], $0xF7A  }
0x23: {  	s9 =	sor.u32 $0xD0000000, s2;
	s6 =	simm.s32 $0x108;
	_ =	swait.ge @!p0 [sflag:s8], $0x0  }
0x24: {  	s3 =	sadd.s32 $0x88, s3;
	s6 =	simm.s32 @!p1 $0x1082;
	[sflag:s4] =	ssyncset.s32 $0xFFFFF086  }
0x25: {  	[simem:s6], [sflag:s4] =	dma.local [hbm:s3], $0xF7A  }
0x26: {  	[smem:$0x3F9B] =	sst s1;
	(tag) =	ssettag s2;
	_ =	strace s9  }
0x27: {  	s1 =	sld [smem:$0x3FAB]  }
0x28: {  	s2 =	sld [smem:$0x3FAC]  }
0x29: {  	s4 =	sld [smem:$0x3FAE]  }
0x2a: {  	p0 =	seq.s32 s5, $0x0;
	s5 =	sld [smem:$0x3FAF]  }
0x2b: {  	s6 =	sld [smem:$0x3FB0]  }
0x2c: {  	s7 =	sld [smem:$0x3FB1]  }
0x2d: {  	s3 =	simm.s32 $0x108;
	s8 =	sld [smem:$0x3FB2]  }
0x2e: {  	s3 =	simm.s32 @!p0 $0x1082;
	s9 =	sld [smem:$0x3FB3]  }
0x2f: {  	lr =	sadd.s32 s0, s3;
	s0 =	sld [smem:$0x3FAA]  }
0x30: {  	s3 =	sld [smem:$0x3FAD]  }
0x31: {  	[smem:$0x3FB6] =	sst s10  }
0x32: {  	s10 =	sld [smem:$0x3FB4];
	_ =	sdelay $0x3  }
0x33: {  	p0 =	seq.s32 s10, $0x1;
	s10 =	sld [smem:$0x3FB6];
	_ =	sdelay $0x3  }
0x34: {  	[smem:$0x3FB6] =	sst s10  }
0x35: {  	s10 =	sld [smem:$0x3FB5];
	_ =	sdelay $0x3  }
0x36: {  	p1 =	seq.s32 s10, $0x1;
	s10 =	sld [smem:$0x3FB6];
	_ =	sdelay $0x3  }
0x37: {  	[smem:$0x3FB6] =	sst s10  }
0x38: {  	s10 =	sld [smem:$0x3FB7]  }
0x39: {  	_ = 	snop;
	(pc) =	sbr.ind lr, $3  }
0x3a: {  	_ = 	snop  }
0x3b: {  	_ = 	snop  }
0x3c: {  	p2 =	seq.s32 s10, $0x1;
	s10 =	sld [smem:$0x3FB6]  }
0x3d: {  	_ =	shalt  }
0x3e: {  	_ =	shalt  }
0x3f: {  	_ =	shalt  }
0x40: {  	_ =	shalt  }
0x41: {  	_ =	shalt  }
0x42: {  	_ =	shalt  }
0x43: {  	_ =	shalt  }
0x44: {  	_ =	shalt  }
0x45: {  	_ =	shalt  }
0x46: {  	_ =	shalt  }
0x47: {  	_ =	shalt  }
0x48: {  	_ =	shalt  }
0x49: {  	_ =	shalt  }
0x4a: {  	_ =	shalt  }
0x4b: {  	_ =	shalt  }
0x4c: {  	_ =	shalt  }
0x4d: {  	_ =	shalt  }
0x4e: {  	_ =	shalt  }
0x4f: {  	_ =	shalt  }
0x50: {  	_ =	shalt  }
0x51: {  	_ =	shalt  }
0x52: {  	_ =	shalt  }
0x53: {  	_ =	shalt  }
0x54: {  	_ =	shalt  }
0x55: {  	_ =	shalt  }
0x56: {  	_ =	shalt  }
0x57: {  	_ =	shalt  }
0x58: {  	_ =	shalt  }
0x59: {  	_ =	shalt  }
0x5a: {  	_ =	shalt  }
0x5b: {  	_ =	shalt  }
0x5c: {  	_ =	shalt  }
0x5d: {  	_ =	shalt  }
0x5e: {  	_ =	shalt  }
0x5f: {  	_ =	shalt  }
0x60: {  	_ =	shalt  }
0x61: {  	_ =	shalt  }
0x62: {  	_ =	shalt  }
0x63: {  	_ =	shalt  }
0x64: {  	_ =	shalt  }
0x65: {  	_ =	shalt  }
0x66: {  	_ =	shalt  }
0x67: {  	_ =	shalt  }
0x68: {  	_ =	shalt  }
0x69: {  	_ =	shalt  }
0x6a: {  	_ =	shalt  }
0x6b: {  	_ =	shalt  }
0x6c: {  	_ =	shalt  }
0x6d: {  	_ =	shalt  }
0x6e: {  	_ =	shalt  }
0x6f: {  	_ =	shalt  }
0x70: {  	_ =	shalt  }
0x71: {  	_ =	shalt  }
0x72: {  	_ =	shalt  }
0x73: {  	_ =	shalt  }
0x74: {  	_ =	shalt  }
0x75: {  	_ =	shalt  }
0x76: {  	_ =	shalt  }
0x77: {  	_ =	shalt  }
0x78: {  	_ =	shalt  }
0x79: {  	_ =	shalt  }
0x7a: {  	_ =	shalt  }
0x7b: {  	_ =	shalt  }
0x7c: {  	_ =	shalt  }
0x7d: {  	_ =	shalt  }
0x7e: {  	_ =	shalt  }
0x7f: {  	_ =	shalt  }
0x80: {  	_ =	shalt  }
0x81: {  	_ =	shalt  }
0x82: {  	_ =	shalt  }
0x83: {  	_ =	shalt  }
0x84: {  	_ =	shalt  }
0x85: {  	_ =	shalt  }
0x86: {  	_ =	shalt  }
0x87: {  	_ =	shalt  }
.Lfunc_end0:
.L_simem_size_0:
called_computation_lowered:
.L_overlay_start_0:
0x88: {  	s2 =	sld [smem:$0x3FD9]  }
0x89: {  	s3 =	sld [smem:$0x3FFE];
	_ =	sdelay $0x1  }
0x8a: {  	s1 =	srdreg.scid  }
0x8b: {  	s0 =	sand.u32 $0x1, s1  }
0x8c: {  	s17 =	sshll.u32 s0, $0xA;
	s2 =	sadd.s32 s3, s2  }
0x8d: {  	s2 =	sadd.s32 s2, s17  }
0x8e: {  	[smem:$0x3FC2] =	sst s2  }
0x8f: {  	_ = 	snop  }
0x90: {  	s2 =	sld [smem:$0x3FC9]  }
0x91: {  	s18 =	sld [smem:$0x3FD0];
	(tm) =	ssettm $0x1  }
0x92: {  	s4 =	sld [smem:$0x3FFB];
	_ =	sdelay $0x3  }
0x93: {  	_ =	strace s4  }
0x94: {  	s4 =	sld [smem:$0x3FFC];
	_ =	sdelay $0x3  }
0x95: {  	_ =	strace s4  }
0x96: {  	s4 =	sld [smem:$0x3FFD];
	_ =	sdelay $0x3  }
0x97: {  	_ =	strace s4  }
0x98: {  	_ =	strace $0x8FFFFFFF  }
0x99: {  	s19 =	sld [smem:$0x3FDB];
	_ =	sdelay $0x1  }
0x9a: {  	s5 =	simm.s32 $_scs_section_size  }
0x9b: {  	s6 =	simm.s32 $_size__tile_overlayer_lowered;
	s7 =	simm.s32 $_tile_overlayer_lowered  }
0x9c: {  	s22 =	simm.s32 $0x1BFF;
	s21 =	sshll.u32 s7, $0x1;
	s4 =	sadd.s32 s5, s19  }
0x9d: {  	s8 =	simm.s32 $0x0;
	s20 =	sshll.u32 s6, $0x1;
	s6 =	sadd.s32 s21, s4  }
0x9e: {  	[timem:s8], [sflag:s22] =	dma.local [hbm:s6], s20  }
0x9f: {  	_ =	swait.ge [sflag:s22], s20  }
0xa0: {  	s5 =	ssub.s32 $0x0, s20;
	[sflag:s22] =	ssyncset.done $0x0  }
0xa1: {  	[sflag:s22] =	ssyncadd.s32 s5;
	_ =	sdelay $0x1  }
0xa2: {  	s23 =	simm.s32 $0x1B8B  }
0xa3: {  	_ =	swait.ge [sflag:s23], $0x1  }
0xa4: {  	[sflag:s23] =	ssyncset.done $0x0  }
0xa5: {  	s25 =	simm.s32 $0x1B8E;
	s24 =	sld [smem:$0x3FFE];
	[sflag:s23] =	ssyncadd.s32 $0xFFFFFFFF  }
0xa6: {  	s26 =	simm.s32 $execute0_lowered;
	[smem:$0x3FD2] =	sst s25  }
0xa7: {  	s6 =	sshll.u32 s26, $0x1;
	_ =	strace $0x80000046;
	[dreg:$0x1] =	wrdreg $0xFFFFFFFF  }
0xa8: {  	s28 =	simm.s32 $_size_execute0_lowered;
	s4 =	sadd.s32 s4, s6;
	[dreg:$0x0] =	wrdreg $0x0  }
0xa9: {  	s6 =	sshll.u32 s28, $0x1;
	[dreg:$0x2] =	wrdreg s4  }
0xaa: {  	[dreg:$0x3] =	wrdreg s6  }
0xab: {  	[dreg:$0x4] =	wrdreg $0xC0  }
0xac: {  	_ =	task [dreg:s8], $0x5FFFF  }
0xad: {  	[dreg:$0x1] =	wrdreg $0xFFFFFFFF  }
0xae: {  	[dreg:$0x0] =	wrdreg $0x60  }
0xaf: {  	[dreg:$0x2] =	wrdreg s2  }
0xb0: {  	[dreg:$0x3] =	wrdreg s18  }
0xb1: {  	[dreg:$0x4] =	wrdreg s24  }
0xb2: {  	[dreg:$0x5] =	wrdreg $0xA8000  }
0xb3: {  	[dreg:$0x6] =	wrdreg $0x9  }
0xb4: {  	_ =	task.clear_ibuf [dreg:s8], $0x7FFFF;
	_ =	strace $0x90000046  }
0xb5: {  	s29 =	simm.s32 $0x9;
	_ =	strace $0x80000048  }
0xb6: {  	_ =	swait.ge [sflag:s29], $0x1  }
0xb7: {  	[sflag:s29] =	ssyncadd.s32 $0xFFFFFFFF  }
0xb8: {  	_ =	strace $0x90000048  }
0xb9: {  	_ =	sfence  }
0xba: {  	s30 =	sld [smem:$0x0];
	_ =	sdelay $0x2  }
0xbb: {  	s31 =	sshll.u32 s1, $0xD;
	s1 =	sshrl.u32 s1, $0x2  }
0xbc: {  	s3 =	sand.u32 $0x4000, s31;
	s1 =	sadd.s32 s1, s30  }
0xbd: {  	s0 =	sor.u32 s3, s0;
	s1 =	sshll.u32 s1, $0x11  }
0xbe: {  	s0 =	sor.u32 s1, s0  }
0xbf: {  	s0 =	sadd.s32 $0x8F2B, s0  }
0xc0: {  	[sflag:s0] =	ssyncadd.remote.s32 $0x1  }
0xc1: {  	_ =	sfence.sel $0xFFFF  }
0xc2: {  	[dreg:$0x0] =	wrdreg $0xFFFFFFFF;
	(pc) =	sbr.abs _section_cstart, $3  }
0xc3: {  	[dreg:$0x1] =	wrdreg $0xFFFFFFFF  }
0xc4: {  	_ =	task.clear_ibuf [dreg:s8], $0x2FFFF;
	_ =	strace $0x9FFFFFFF  }
0xc5: {  	(tm) =	ssettm $0x7FFFFFFF  }
tec
execute0_lowered:
.L_overlay_start_1:
0x0: {  	(tag) =	ssettag $0x1  }
0x1: {  	s1 =	rddreg [dreg:$0x0]  }
0x2: {  	s7 =	rddreg [dreg:$0x1]  }
0x3: {  	s11 =	rddreg [dreg:$0x2]  }
0x4: {  	s2 =	rddreg [dreg:$0x3]  }
0x5: {  	s3 =	srdreg.scid;
	s0 =	rddreg [dreg:$0x4];
	s4 =	simm.s32 $0x0  }
0x6: {  	s19 =	simm.s32 $0x6800;
	s20 =	simm.s32 $0x1;
	s21 =	simm.s32 $0x2  }
0x7: {  	s22 =	simm.s32 $0x1380;
	s23 =	simm.s32 $0x2700;
	s24 =	simm.s32 $0x2780  }
0x8: {  	s25 =	simm.s32 $0x0;
	s8 =	sand.u32 $0x1, s3;
	s3 =	stileid.u32  }
0x9: {  	[smem:$0x7FF] =	sst s4;
	s5 =	sadd.s32 $0x1C00, s11;
	s6 =	smul.u32 $0x140000, s8  }
0xa: {  	s13 =	sadd.s32 $0x2200, s11;
	s17 =	sadd.s32 $0x2480, s11;
	s9 =	smul.u32 $0x14000, s3  }
0xb: {  	s10 =	sshll.u32 s8, $0x4;
	_ =	strace $0x80000047;
	s8 =	ssub.s32 $0x2, s8  }
0xc: {  	s15 =	smul.u32 $0x50000, s3;
	s31 =	sshll.u32 s3, $0x6;
	s10 =	sor.u32 s3, s10  }
0xd: {  	s14 =	sshrl.u32 s8, $0x1;
	s9 =	sadd.s32 s9, s6;
	s12 =	smul.u32 $0x2800, s10  }
0xe: {  	s6 =	sadd.s32 $0x2800, s11;
	s14 =	ssub.s32 s8, s14;
	p0 =	seq.s32 s10, $0x1F  }
0xf: {  	s30 =	sshrl.u32 s15, $0x2;
	s15 =	sadd.s32 $0x1E80, s11;
	s9 =	sshrl.u32 s9, $0x3  }
0x10: {  	s18 =	sadd.s32 s30, s2;
	s12 =	sshrl.u32 s12, $0x3;
	s16 =	sadd.s32 s9, s11  }
0x11: {  	s18 =	sshrl.u32 s18, $0x3;
	s7 =	sadd.s32 s7, s12;
	s11 =	sadd.s32 $0x5000, s16  }
0x12: {  	s12 =	smax.u32 s14, $0x1;
	s14 =	simm.s32 $0x3;
	s16 =	simm.s32 $0x2800  }
0x13: {  	s8 =	sadd.s32 $0x9C80, s7;
	s9 =	sadd.s32 $0x280, s7;
	s10 =	sadd.s32 $0x9F00, s7  }
0x14: {  	s9 =	smov.u32 @p0 s15;
	s10 =	smov.u32 @p0 s17;
	s8 =	smov.u32 @p0 s13  }
0x15: {  	s13 =	simm.s32 $0x1400;
	s15 =	simm.s32 $0x80;
	s17 =	sor.u32 $0x1C03, s31  }
.LBB2_1:
0x16: {  	s26 =	simm.s32 @p0 $0x0  }
0x17: {  	[tilespmem:s26], [sflag:$0x3] =	stream.linear.gather @p0 [hbm4b:s5+s26], $0x1400, $0x38;
	[tilespmem:$0x1E800] =	vst v63  }
0x18: {  	s26 =	simm.s32 @p0 $0x3  }
0x19: {  	_ =	swait.ge @p0 [sflag:s26], $0x1400  }
0x1a: {  	[sflag:s26] =	ssyncset.done @p0 $0x0  }
0x1b: {  	[sflag:s26] =	ssyncadd.s32 @p0 $0xFFFFEC00;
	s26 =	simm.s32 @!p0 $0x0  }
0x1c: {  	[tilespmem:s26], [sflag:$0x3] =	stream.linear.gather @!p0 [hbm4b:s7+s26], $0x1400, $0x38;
	[tilespmem:$0x1E800] =	vst v63  }
0x1d: {  	s26 =	simm.s32 @!p0 $0x3  }
0x1e: {  	_ =	swait.ge @!p0 [sflag:s26], $0x1400  }
0x1f: {  	[sflag:s26] =	ssyncset.done @!p0 $0x0  }
0x20: {  	[sflag:s26] =	ssyncadd.s32 @!p0 $0xFFFFEC00  }
0x21: {  	[tilespmem:s13], [sflag:$0x3] =	stream.linear.gather [hbm4b:s8+s4], $0x1400, $0x38;
	[tilespmem:$0x1E800] =	vst v63  }
0x22: {  	_ =	swait.ge [sflag:s14], $0x1400  }
0x23: {  	[sflag:s14] =	ssyncset.done $0x0  }
0x24: {  	[sflag:s14] =	ssyncadd.s32 $0xFFFFEC00  }
0x25: {  	[tilespmem:s16], [sflag:$0x1] =	stream.indirect.gather [hbm4b:s1+s15], $0x80, s4, s15, $0xb8;
	[tilespmem:$0x1E800] =	vst v63  }
0x26: {  	[spmem:s18], [sflag:s17] =	dma.local [hbm:s6], $0x2800  }
0x27: {  	_ =	swait.ge [sflag:s14], $0x2800  }
0x28: {  	[sflag:s14] =	ssyncset.done $0x0  }
0x29: {  	[sflag:s14] =	ssyncadd.s32 $0xFFFFD800  }
0x2a: {  	s31 =	simm.s32 $0x80;
	[bflag:$0x0] =	sbarrier.arrive $0xFFFF  }
0x2b: {  	[tilespmem:s19], [sflag:$0x2] =	stream.indirect.gather [hbm4b:s1+s15], $0x80, s31, s15, $0xb8;
	[tilespmem:$0x1E800] =	vst v63  }
0x2c: {  	_ =	swait.ge [sflag:s20], $0x4000  }
0x2d: {  	[sflag:s20] =	ssyncset.done $0x0  }
0x2e: {  	s29 =	simm.s32 $0x1400;
	[sflag:s20] =	ssyncadd.s32 $0xFFFFC000  }
0x2f: {  	[spmem:s2] =	stream.indirect.scatter.add.f32 [tilespmem:s16], [sflag:$0x3], $0x80, s29, s15, $0xb8;
	[tilespmem:$0x1E800] =	vst v63  }
0x30: {  	_ =	swait.ge [sflag:s14], $0x4000  }
0x31: {  	[sflag:s14] =	ssyncset.done $0x0  }
0x32: {  	s30 =	simm.s32 $0x100;
	[sflag:s14] =	ssyncadd.s32 $0xFFFFC000  }
0x33: {  	[tilespmem:s16], [sflag:$0x1] =	stream.indirect.gather [hbm4b:s1+s15], $0x80, s30, s15, $0xb8;
	[tilespmem:$0x1E800] =	vst v63  }
0x34: {  	_ =	swait.ge [sflag:s21], $0x4000  }
0x35: {  	[sflag:s21] =	ssyncset.done $0x0  }
0x36: {  	s31 =	simm.s32 $0x1480;
	[sflag:s21] =	ssyncadd.s32 $0xFFFFC000  }
0x37: {  	[spmem:s2] =	stream.indirect.scatter.add.f32 [tilespmem:s19], [sflag:$0x3], $0x80, s31, s15, $0xb8;
	[tilespmem:$0x1E800] =	vst v63  }
0x38: {  	_ =	swait.ge [sflag:s14], $0x4000  }
0x39: {  	s28 =	simm.s32 $0x800;
	s26 =	simm.s32 $0x100;
	[sflag:s14] =	ssyncset.done $0x0  }
.LBB2_2:
0x3a: {  	s29 =	sadd.s32 $0x80, s26  }
0x3b: {  	[sflag:s14] =	ssyncadd.s32 $0xFFFFC000;
	s30 =	smov.u32 s28;
	s31 =	sadd.s32 $0x400, s28  }
0x3c: {  	[tilespmem:s19], [sflag:$0x2] =	stream.indirect.gather [hbm4b:s1+s15], $0x80, s29, s15, $0xb8;
	[tilespmem:$0x1E800] =	vst v63  }
0x3d: {  	p1 =	sne.s32 s28, $0x4800;
	_ =	swait.ge [sflag:s20], $0x4000  }
0x3e: {  	[sflag:s20] =	ssyncset.done $0x0  }
0x3f: {  	s28 =	sadd.s32 $0x1400, s26;
	[sflag:s20] =	ssyncadd.s32 $0xFFFFC000  }
0x40: {  	[spmem:s2] =	stream.indirect.scatter.add.f32 [tilespmem:s16], [sflag:$0x3], $0x80, s28, s15, $0xb8;
	[tilespmem:$0x1E800] =	vst v63  }
0x41: {  	_ =	swait.ge [sflag:s14], $0x4000  }
0x42: {  	[sflag:s14] =	ssyncset.done $0x0  }
0x43: {  	s28 =	sadd.s32 $0x100, s26;
	[sflag:s14] =	ssyncadd.s32 $0xFFFFC000  }
0x44: {  	[tilespmem:s16], [sflag:$0x1] =	stream.indirect.gather [hbm4b:s1+s15], $0x80, s28, s15, $0xb8;
	[tilespmem:$0x1E800] =	vst v63  }
0x45: {  	_ =	swait.ge [sflag:s21], $0x4000  }
.Ltmp0:
0x46: {  	[sflag:s21] =	ssyncset.done $0x0;
	(pc) =	sbr.rel @p1 .LBB2_2-.Ltmp0, $4  }
0x47: {  	s26 =	sadd.s32 $0x1480, s26;
	[sflag:s21] =	ssyncadd.s32 $0xFFFFC000  }
0x48: {  	[spmem:s2] =	stream.indirect.scatter.add.f32 [tilespmem:s19], [sflag:$0x3], $0x80, s26, s15, $0xb8;
	[tilespmem:$0x1E800] =	vst v63  }
0x49: {  	_ =	swait.ge [sflag:s14], $0x4000  }
0x4a: {  	s28 =	smov.u32 s31;
	s26 =	sshra.s32 s30, $0x2;
	[sflag:s14] =	ssyncset.done $0x0  }
0x4b: {  	s28 =	sadd.s32 $0x80, s26;
	[sflag:s14] =	ssyncadd.s32 $0xFFFFC000  }
0x4c: {  	[tilespmem:s19], [sflag:$0x2] =	stream.indirect.gather [hbm4b:s1+s15], $0x80, s28, s15, $0xb8;
	[tilespmem:$0x1E800] =	vst v63  }
0x4d: {  	_ =	swait.ge [sflag:s20], $0x4000  }
0x4e: {  	[sflag:s20] =	ssyncset.done $0x0  }
0x4f: {  	s28 =	sadd.s32 $0x1400, s26;
	[sflag:s20] =	ssyncadd.s32 $0xFFFFC000  }
0x50: {  	[spmem:s2] =	stream.indirect.scatter.add.f32 [tilespmem:s16], [sflag:$0x3], $0x80, s28, s15, $0xb8;
	[tilespmem:$0x1E800] =	vst v63  }
0x51: {  	_ =	swait.ge [sflag:s14], $0x4000  }
0x52: {  	[sflag:s14] =	ssyncset.done $0x0  }
0x53: {  	s28 =	sadd.s32 $0x100, s26;
	[sflag:s14] =	ssyncadd.s32 $0xFFFFC000  }
0x54: {  	[tilespmem:s16], [sflag:$0x1] =	stream.indirect.gather [hbm4b:s1+s15], $0x80, s28, s15, $0xb8;
	[tilespmem:$0x1E800] =	vst v63  }
0x55: {  	_ =	swait.ge [sflag:s21], $0x4000  }
0x56: {  	[sflag:s21] =	ssyncset.done $0x0  }
0x57: {  	s29 =	sadd.s32 $0x1480, s26;
	[sflag:s21] =	ssyncadd.s32 $0xFFFFC000  }
0x58: {  	[spmem:s2] =	stream.indirect.scatter.add.f32 [tilespmem:s19], [sflag:$0x3], $0x80, s29, s15, $0xb8;
	[tilespmem:$0x1E800] =	vst v63  }
0x59: {  	_ =	swait.ge [sflag:s14], $0x4000  }
0x5a: {  	[sflag:s14] =	ssyncset.done $0x0  }
0x5b: {  	[sflag:s14] =	ssyncadd.s32 $0xFFFFC000  }
0x5c: {  	[tilespmem:s19], [sflag:$0x2] =	stream.indirect.gather [hbm4b:s1+s15], $0x80, s22, s15, $0xb8;
	[tilespmem:$0x1E800] =	vst v63  }
0x5d: {  	_ =	swait.ge [sflag:s20], $0x4000  }
0x5e: {  	[sflag:s20] =	ssyncset.done $0x0  }
0x5f: {  	[sflag:s20] =	ssyncadd.s32 $0xFFFFC000  }
0x60: {  	[spmem:s2] =	stream.indirect.scatter.add.f32 [tilespmem:s16], [sflag:$0x3], $0x80, s23, s15, $0xb8;
	[tilespmem:$0x1E800] =	vst v63  }
0x61: {  	_ =	swait.ge [sflag:s14], $0x4000  }
0x62: {  	[sflag:s14] =	ssyncset.done $0x0  }
0x63: {  	[sflag:s14] =	ssyncadd.s32 $0xFFFFC000  }
0x64: {  	_ =	swait.ge [sflag:s21], $0x4000  }
0x65: {  	[sflag:s21] =	ssyncset.done $0x0  }
0x66: {  	[sflag:s21] =	ssyncadd.s32 $0xFFFFC000  }
0x67: {  	[spmem:s2] =	stream.indirect.scatter.add.f32 [tilespmem:s19], [sflag:$0x3], $0x80, s24, s15, $0xb8;
	[tilespmem:$0x1E800] =	vst v63  }
0x68: {  	_ =	swait.ge [sflag:s14], $0x4000  }
0x69: {  	[sflag:s14] =	ssyncset.done $0x0  }
0x6a: {  	s30 =	simm.s32 $0x0;
	[sflag:s14] =	ssyncadd.s32 $0xFFFFC000  }
0x6b: {  	[tilespmem:s30], [sflag:$0x3] =	stream.linear.gather [hbm4b:s9+s30], $0x1400, $0x38;
	[tilespmem:$0x1E800] =	vst v63  }
0x6c: {  	_ =	swait.ge [sflag:s14], $0x1400  }
0x6d: {  	[sflag:s14] =	ssyncset.done $0x0  }
0x6e: {  	[sflag:s14] =	ssyncadd.s32 $0xFFFFEC00  }
0x6f: {  	[tilespmem:s13], [sflag:$0x3] =	stream.linear.gather [hbm4b:s10+s30], $0x1400, $0x38;
	[tilespmem:$0x1E800] =	vst v63  }
0x70: {  	_ =	swait.ge [sflag:s14], $0x1400  }
0x71: {  	[sflag:s14] =	ssyncset.done $0x0  }
0x72: {  	[sflag:s14] =	ssyncadd.s32 $0xFFFFEC00  }
0x73: {  	[tilespmem:s16], [sflag:$0x1] =	stream.indirect.gather [hbm4b:s1+s15], $0x80, s30, s15, $0xb8;
	[tilespmem:$0x1E800] =	vst v63  }
0x74: {  	s31 =	simm.s32 $0x80  }
0x75: {  	[tilespmem:s19], [sflag:$0x2] =	stream.indirect.gather [hbm4b:s1+s15], $0x80, s31, s15, $0xb8;
	[tilespmem:$0x1E800] =	vst v63  }
0x76: {  	_ =	swait.ge [sflag:s20], $0x4000  }
0x77: {  	[sflag:s20] =	ssyncset.done $0x0  }
0x78: {  	s29 =	simm.s32 $0x1400;
	[sflag:s20] =	ssyncadd.s32 $0xFFFFC000  }
0x79: {  	[spmem:s2] =	stream.indirect.scatter.add.f32 [tilespmem:s16], [sflag:$0x3], $0x80, s29, s15, $0xb8;
	[tilespmem:$0x1E800] =	vst v63  }
0x7a: {  	_ =	swait.ge [sflag:s14], $0x4000  }
0x7b: {  	[sflag:s14] =	ssyncset.done $0x0  }
0x7c: {  	s30 =	simm.s32 $0x100;
	[sflag:s14] =	ssyncadd.s32 $0xFFFFC000  }
0x7d: {  	[tilespmem:s16], [sflag:$0x1] =	stream.indirect.gather [hbm4b:s1+s15], $0x80, s30, s15, $0xb8;
	[tilespmem:$0x1E800] =	vst v63  }
0x7e: {  	_ =	swait.ge [sflag:s21], $0x4000  }
0x7f: {  	[sflag:s21] =	ssyncset.done $0x0  }
0x80: {  	s31 =	simm.s32 $0x1480;
	[sflag:s21] =	ssyncadd.s32 $0xFFFFC000  }
0x81: {  	[spmem:s2] =	stream.indirect.scatter.add.f32 [tilespmem:s19], [sflag:$0x3], $0x80, s31, s15, $0xb8;
	[tilespmem:$0x1E800] =	vst v63  }
0x82: {  	_ =	swait.ge [sflag:s14], $0x4000  }
0x83: {  	s26 =	simm.s32 $0x100;
	s28 =	simm.s32 $0x800;
	[sflag:s14] =	ssyncset.done $0x0  }
.LBB2_4:
0x84: {  	s29 =	sadd.s32 $0x80, s26  }
0x85: {  	[sflag:s14] =	ssyncadd.s32 $0xFFFFC000;
	s30 =	smov.u32 s28;
	s31 =	sadd.s32 $0x400, s28  }
0x86: {  	[tilespmem:s19], [sflag:$0x2] =	stream.indirect.gather [hbm4b:s1+s15], $0x80, s29, s15, $0xb8;
	[tilespmem:$0x1E800] =	vst v63  }
0x87: {  	p1 =	sne.s32 s28, $0x4800;
	_ =	swait.ge [sflag:s20], $0x4000  }
0x88: {  	[sflag:s20] =	ssyncset.done $0x0  }
0x89: {  	s28 =	sadd.s32 $0x1400, s26;
	[sflag:s20] =	ssyncadd.s32 $0xFFFFC000  }
0x8a: {  	[spmem:s2] =	stream.indirect.scatter.add.f32 [tilespmem:s16], [sflag:$0x3], $0x80, s28, s15, $0xb8;
	[tilespmem:$0x1E800] =	vst v63  }
0x8b: {  	_ =	swait.ge [sflag:s14], $0x4000  }
0x8c: {  	[sflag:s14] =	ssyncset.done $0x0  }
0x8d: {  	s28 =	sadd.s32 $0x100, s26;
	[sflag:s14] =	ssyncadd.s32 $0xFFFFC000  }
0x8e: {  	[tilespmem:s16], [sflag:$0x1] =	stream.indirect.gather [hbm4b:s1+s15], $0x80, s28, s15, $0xb8;
	[tilespmem:$0x1E800] =	vst v63  }
0x8f: {  	_ =	swait.ge [sflag:s21], $0x4000  }
.Ltmp1:
0x90: {  	[sflag:s21] =	ssyncset.done $0x0;
	(pc) =	sbr.rel @p1 .LBB2_4-.Ltmp1, $4  }
0x91: {  	s26 =	sadd.s32 $0x1480, s26;
	[sflag:s21] =	ssyncadd.s32 $0xFFFFC000  }
0x92: {  	[spmem:s2] =	stream.indirect.scatter.add.f32 [tilespmem:s19], [sflag:$0x3], $0x80, s26, s15, $0xb8;
	[tilespmem:$0x1E800] =	vst v63  }
0x93: {  	_ =	swait.ge [sflag:s14], $0x4000  }
0x94: {  	s28 =	smov.u32 s31;
	s26 =	sshra.s32 s30, $0x2;
	[sflag:s14] =	ssyncset.done $0x0  }
0x95: {  	s28 =	sadd.s32 $0x80, s26;
	[sflag:s14] =	ssyncadd.s32 $0xFFFFC000  }
0x96: {  	[tilespmem:s19], [sflag:$0x2] =	stream.indirect.gather [hbm4b:s1+s15], $0x80, s28, s15, $0xb8;
	[tilespmem:$0x1E800] =	vst v63  }
0x97: {  	_ =	swait.ge [sflag:s20], $0x4000  }
0x98: {  	[sflag:s20] =	ssyncset.done $0x0  }
0x99: {  	s29 =	sadd.s32 $0x1400, s26;
	[sflag:s20] =	ssyncadd.s32 $0xFFFFC000  }
0x9a: {  	[spmem:s2] =	stream.indirect.scatter.add.f32 [tilespmem:s16], [sflag:$0x3], $0x80, s29, s15, $0xb8;
	[tilespmem:$0x1E800] =	vst v63  }
0x9b: {  	_ =	swait.ge [sflag:s14], $0x4000  }
0x9c: {  	[sflag:s14] =	ssyncset.done $0x0  }
0x9d: {  	s30 =	sadd.s32 $0x100, s26;
	[sflag:s14] =	ssyncadd.s32 $0xFFFFC000  }
0x9e: {  	[tilespmem:s16], [sflag:$0x1] =	stream.indirect.gather [hbm4b:s1+s15], $0x80, s30, s15, $0xb8;
	[tilespmem:$0x1E800] =	vst v63  }
0x9f: {  	_ =	swait.ge [sflag:s21], $0x4000  }
0xa0: {  	[sflag:s21] =	ssyncset.done $0x0  }
0xa1: {  	s31 =	sadd.s32 $0x1480, s26;
	[sflag:s21] =	ssyncadd.s32 $0xFFFFC000  }
0xa2: {  	[spmem:s2] =	stream.indirect.scatter.add.f32 [tilespmem:s19], [sflag:$0x3], $0x80, s31, s15, $0xb8;
	[tilespmem:$0x1E800] =	vst v63  }
0xa3: {  	_ =	swait.ge [sflag:s14], $0x4000  }
0xa4: {  	[sflag:s14] =	ssyncset.done $0x0  }
0xa5: {  	[sflag:s14] =	ssyncadd.s32 $0xFFFFC000  }
0xa6: {  	[tilespmem:s19], [sflag:$0x2] =	stream.indirect.gather [hbm4b:s1+s15], $0x80, s22, s15, $0xb8;
	[tilespmem:$0x1E800] =	vst v63  }
0xa7: {  	_ =	swait.ge [sflag:s20], $0x4000  }
0xa8: {  	[sflag:s20] =	ssyncset.done $0x0  }
0xa9: {  	[sflag:s20] =	ssyncadd.s32 $0xFFFFC000  }
0xaa: {  	[spmem:s2] =	stream.indirect.scatter.add.f32 [tilespmem:s16], [sflag:$0x3], $0x80, s23, s15, $0xb8;
	[tilespmem:$0x1E800] =	vst v63  }
0xab: {  	_ =	swait.ge [sflag:s14], $0x4000  }
0xac: {  	[sflag:s14] =	ssyncset.done $0x0  }
0xad: {  	[sflag:s14] =	ssyncadd.s32 $0xFFFFC000  }
0xae: {  	_ =	swait.ge [sflag:s21], $0x4000  }
0xaf: {  	[sflag:s21] =	ssyncset.done $0x0  }
0xb0: {  	[sflag:s21] =	ssyncadd.s32 $0xFFFFC000  }
0xb1: {  	[spmem:s2] =	stream.indirect.scatter.add.f32 [tilespmem:s19], [sflag:$0x3], $0x80, s24, s15, $0xb8;
	[tilespmem:$0x1E800] =	vst v63  }
0xb2: {  	_ =	swait.ge [sflag:s14], $0x4000  }
0xb3: {  	s25 =	sadd.s32 $0x1, s25;
	[sflag:s14] =	ssyncset.done $0x0  }
0xb4: {  	p1 =	sne.s32 s25, s12;
	[sflag:s14] =	ssyncadd.s32 $0xFFFFC000  }
.Ltmp2:
0xb5: {  	[bflag:$0x0] =	sbarrier.arrive $0xFFFF;
	(pc) =	sbr.rel @p1 .LBB2_1-.Ltmp2, $4  }
0xb6: {  	[hbm:s11], [sflag:s17] =	dma.local [spmem:s18], $0x2800  }
0xb7: {  	_ =	swait.ge [sflag:s14], $0x2800  }
0xb8: {  	[sflag:s14] =	ssyncset.done $0x0  }
0xb9: {  	[sflag:s14] =	ssyncadd.s32 $0xFFFFD800  }
0xba: {  	_ =	sfence.sel $0x180000  }
0xbb: {  	[bflag:$0x0] =	sbarrier.arrive $0xFFFF  }
0xbc: {  	p0 =	sne.s32 s3, $0x0;
	_ =	strace $0x90000047  }
0xbd: {  	s0 =	sadd.s32 @!p0 $0x100000, s0;
	[bflag:$0x2] =	sbarrier.arrive $0xFFFF  }
0xbe: {  	[sflag:s0] =	ssyncadd.tile.s32 @!p0 $0x1;
	_ =	shalt  }
.Lfunc_end2:
_tile_overlayer_lowered:
.L_overlay_start_2:
0xbf: {  	(tag) =	ssettag $0x2  }
0xc0: {  	s0 =	rddreg [dreg:$0x0];
	s2 =	stileid.u32  }
0xc1: {  	s1 =	rddreg [dreg:$0x1];
	p0 =	sne.s32 s2, $0x0  }
0xc2: {  	s3 =	rddreg [dreg:$0x2];
	[bflag:$0x3] =	sbarrier.arrive $0xFFFF;
	s2 =	simm.s32 @!p0 $0x1C03  }
0xc3: {  	[timem:s3], [sflag:s2] =	dma.local @!p0 [hbm:s0], s1  }
0xc4: {  	s0 =	simm.s32 @!p0 $0x3  }
0xc5: {  	_ =	swait.ge @!p0 [sflag:s0], s1  }
0xc6: {  	s1 =	ssub.s32 @!p0 $0x0, s1;
	[sflag:s0] =	ssyncset.done @!p0 $0x0  }
0xc7: {  	[sflag:s0] =	ssyncadd.s32 @!p0 s1  }
0xc8: {  	[bflag:$0x3] =	sbarrier.arrive $0xFFFF  }
0xc9: {  	_ =	shalt  }

</sc_bundles>
